<compile_context>
chip_gen: v7x
topology: tpu7x:2x2x1
jax: 0.10.2.dev20260603
libtpu: 0.0.44.dev20260713+nightly
codegen_flags: <defaults>
</compile_context>

<pallas_src>
import jax
import jax.numpy as jnp
from jax import lax
from jax.experimental import pallas as pl
from jax.experimental.pallas import tpu as pltpu
from jax.experimental.pallas import tpu_sc as plsc

B = 4096
F = 26
V = 100000
D = 16
DENSE = 13
NF = F + 1
FD = F * D
EPS = 1e-5

NC = 2
NS = 16
NW = NC * NS
ROWS = B * F
RPW = ROWS // NW
CH = 128
NCH = RPW // CH


def _tr_body(x_ref, o_ref):
    o_ref[:, pl.ds(0, D)] = x_ref[...].T


TRC = 16384


def _tc_transpose(embT):
    return pl.pallas_call(
        _tr_body,
        grid=(pl.cdiv(F * V, TRC),),
        in_specs=[pl.BlockSpec((D, TRC), lambda i: (0, i))],
        out_specs=pl.BlockSpec((TRC, 128), lambda i: (i, 0)),
        out_shape=jax.ShapeDtypeStruct((F * V, 128), jnp.float32),
    )(embT)


def _sc_emb_body(q_ref, emb_ref, eout_ref, q_v, rows_v, sem_e):
    wid = lax.axis_index("s") * NC + lax.axis_index("c")
    r0 = wid * RPW

    pltpu.sync_copy(q_ref.at[pl.ds(r0, RPW)], q_v)

    def fire(j, buf):
        pltpu.async_copy(emb_ref.at[q_v.at[pl.ds(j * CH, CH)]],
                         rows_v.at[buf], sem_e)

    fire(0, 0)

    def chunk(j, carry):
        buf = lax.rem(j, 2)

        @pl.when(j + 1 < NCH)
        def _():
            fire(j + 1, 1 - buf)

        pltpu.make_async_copy(emb_ref.at[q_v.at[pl.ds(j * CH, CH)]],
                              rows_v.at[buf], sem_e).wait()
        pltpu.sync_copy(rows_v.at[buf],
                        eout_ref.at[pl.ds(r0 + j * CH, CH)])
        return carry

    lax.fori_loop(0, NCH, chunk, 0)


def _sc_emb(flat, embw):
    mesh = plsc.VectorSubcoreMesh(core_axis_name="c", subcore_axis_name="s")
    k = pl.kernel(
        _sc_emb_body,
        out_type=jax.ShapeDtypeStruct((ROWS, 128), jnp.float32),
        mesh=mesh,
        compiler_params=pltpu.CompilerParams(use_tc_tiling_on_sc=True),
        scratch_types=[
            pltpu.VMEM((RPW,), jnp.int32),
            pltpu.VMEM((2, CH, 128), jnp.float32),
            pltpu.SemaphoreType.DMA,
        ],
    )
    return k(flat, embw)


def _sc_lin_body(flatq_ref, lin16_ref, lout_ref, qidx_v, l16_v, sem_l):
    wid = lax.axis_index("s") * NC + lax.axis_index("c")
    r0 = wid * RPW
    pltpu.sync_copy(flatq_ref.at[pl.ds(r0, RPW)], qidx_v)

    def fire(j, carry):
        o = j * CH
        pltpu.async_copy(lin16_ref.at[qidx_v.at[pl.ds(o, CH)]],
                         l16_v.at[pl.ds(o, CH)], sem_l)
        return carry

    lax.fori_loop(0, NCH, fire, 0)

    def drain(j, carry):
        o = j * CH
        pltpu.make_async_copy(lin16_ref.at[qidx_v.at[pl.ds(o, CH)]],
                              l16_v.at[pl.ds(o, CH)], sem_l).wait()
        return carry

    lax.fori_loop(0, NCH, drain, 0)
    pltpu.sync_copy(l16_v, lout_ref.at[pl.ds(r0, RPW)])


def _sc_lin(flatq, lin16):
    mesh = plsc.VectorSubcoreMesh(core_axis_name="c", subcore_axis_name="s")
    k = pl.kernel(
        _sc_lin_body,
        out_type=jax.ShapeDtypeStruct((ROWS, D), jnp.float32),
        mesh=mesh,
        compiler_params=pltpu.CompilerParams(use_tc_tiling_on_sc=False),
        scratch_types=[
            pltpu.VMEM((RPW,), jnp.int32),
            pltpu.VMEM((RPW, D), jnp.float32),
            pltpu.SemaphoreType.DMA,
        ],
    )
    return k(flatq, lin16)


BT = 256


def _tc_body(ge_ref, gl_ref, m_ref, dx_ref, wd_ref, bd_ref, wdl_ref, a_ref,
             r_ref, w1a_ref, w1b_ref, b1_ref, w2_ref, b2_ref, w3_ref, c0_ref,
             out_ref):
    ge = ge_ref[...]
    dx = dx_ref[...]
    de = jnp.dot(dx, wd_ref[...], preferred_element_type=jnp.float32) + bd_ref[...]
    s = jnp.dot(ge, a_ref[...], preferred_element_type=jnp.float32) + de
    sumsq = (jnp.sum(ge * ge, axis=1, keepdims=True)
             + jnp.sum(de * de, axis=1, keepdims=True))
    order2 = jnp.sum(s * s, axis=1, keepdims=True) - sumsq
    m_exp = jnp.dot(m_ref[...], r_ref[...], preferred_element_type=jnp.float32)
    lane = jnp.bitwise_and(
        lax.broadcasted_iota(jnp.int32, (BT, FD), 1), 15).astype(jnp.float32)
    lsel = jnp.where(m_exp == lane, gl_ref[...], 0.0)
    order1 = (jnp.sum(lsel, axis=1, keepdims=True)
              + jnp.sum(dx * wdl_ref[...], axis=1, keepdims=True))
    h = (jnp.dot(ge, w1a_ref[...], preferred_element_type=jnp.float32)
         + jnp.dot(de, w1b_ref[...], preferred_element_type=jnp.float32)
         + b1_ref[...])
    h = jnp.where(h >= 0, h, 0.2 * h)
    h = jnp.dot(h, w2_ref[...], preferred_element_type=jnp.float32) + b2_ref[...]
    h = jnp.where(h >= 0, h, 0.2 * h)
    z = jnp.sum(h * w3_ref[...], axis=1, keepdims=True)
    out_ref[...] = z + order1 + 0.5 * order2 + c0_ref[...]


def _tc_dense(ge, gl16, m, dx, wd, bd, wdl, a, r, w1a, w1b, b1p, w2p, b2p,
              w3p, c0):
    full = lambda shape: pl.BlockSpec(shape, lambda i: (0,) * len(shape))
    return pl.pallas_call(
        _tc_body,
        grid=(B // BT,),
        in_specs=[
            pl.BlockSpec((BT, FD), lambda i: (i, 0)),
            pl.BlockSpec((BT, FD), lambda i: (i, 0)),
            pl.BlockSpec((BT, F), lambda i: (i, 0)),
            pl.BlockSpec((BT, DENSE), lambda i: (i, 0)),
            full((DENSE, D)),
            full((1, D)),
            full((1, DENSE)),
            full((FD, D)),
            full((F, FD)),
            full((FD, 256)),
            full((D, 256)),
            full((1, 256)),
            full((256, 128)),
            full((1, 128)),
            full((1, 128)),
            full((1, 1)),
        ],
        out_specs=pl.BlockSpec((BT, 1), lambda i: (i, 0)),
        out_shape=jax.ShapeDtypeStruct((B, 1), jnp.float32),
    )(ge, gl16, m, dx, wd, bd, wdl, a, r, w1a, w1b, b1p, w2p, b2p, w3p, c0)


def kernel(ids, sparse_xs, dense_xs, emb_table, lin_table, Wd, bd, Wdl, bdl,
           bn0_g, bn0_b, W1, b1, bn1_g, bn1_b, W2, b2, bn2_g, bn2_b, W3, b3,
           global_bias):
    offsets = jnp.arange(F, dtype=ids.dtype) * V
    flat = (ids + offsets[None, :]).reshape(ROWS).astype(jnp.int32)
    flatq = flat >> 4
    lin16 = lin_table.reshape(F * V // 16, 16)

    inv = 1.0 / jnp.sqrt(1.0 + EPS)
    f_idx = jnp.arange(FD) // D
    d_idx = jnp.arange(FD) % D
    perm_sparse = d_idx * NF + f_idx
    perm_dense = jnp.arange(D) * NF + F
    w1s = (bn0_g * inv)[:, None] * W1
    w1a = w1s[perm_sparse]
    w1b = w1s[perm_dense]
    b1p = (b1 + bn0_b @ W1)[None, :]
    w2p = (bn1_g * inv)[:, None] * W2
    b2p = (b2 + bn1_b @ W2)[None, :]
    w3p = ((bn2_g * inv) * W3[:, 0])[None, :]
    c0 = (b3[0] + bn2_b @ W3[:, 0] + global_bias[0] + bdl[0]).reshape(1, 1)
    a = jnp.tile(jnp.eye(D, dtype=jnp.float32), (F, 1))
    r = jnp.repeat(jnp.eye(F, dtype=jnp.float32), D, axis=1)
    m = jnp.bitwise_and(flat, 15).astype(jnp.float32).reshape(B, F)

    embw = _tc_transpose(emb_table.T)

    erows = _sc_emb(flat, embw)
    lrows = _sc_lin(flatq, lin16)
    ge = erows[:, :D].reshape(B, FD)
    gl16 = lrows.reshape(B, FD)

    return _tc_dense(ge, gl16, m, dense_xs, Wd, bd[None, :], Wdl[:, 0][None, :],
                     a, r, w1a, w1b, b1p, w2p, b2p, w3p, c0)

# --- scband reference (transcript-rebuilt; emitter-appended) ---
"""Pipeline reference for scband-deep-fmv2-53472342835522 (READ-ONLY COPY).

The authoritative reference and input builder live on the scoring server;
editing this copy changes nothing except your own understanding.
"""

import jax, jax.numpy as jnp
import numpy as np

B = 4096
F = 26
V = 100000
D = 16
DENSE = 13
NF = F + 1
EPS = 1e-5

def setup_inputs(seed: int = 0):
    key = jax.random.key(seed)
    ks = jax.random.split(key, 20)
    inp = {}
    inp["ids"] = jax.random.randint(ks[0], (B, F), 0, V)
    inp["sparse_xs"] = jnp.zeros((B, 1), dtype=jnp.float32)
    inp["dense_xs"] = jax.random.normal(ks[1], (B, DENSE), dtype=jnp.float32)
    inp["emb_table"] = jax.random.normal(ks[2], (F * V, D), dtype=jnp.float32) * 0.01
    inp["lin_table"] = jax.random.normal(ks[3], (F * V, 1), dtype=jnp.float32) * 0.01
    inp["Wd"] = jax.random.normal(ks[4], (DENSE, D), dtype=jnp.float32) * 0.1
    inp["bd"] = jnp.zeros((D,), dtype=jnp.float32)
    inp["Wdl"] = jax.random.normal(ks[5], (DENSE, 1), dtype=jnp.float32) * 0.1
    inp["bdl"] = jnp.zeros((1,), dtype=jnp.float32)
    h0 = D * NF
    inp["bn0_g"] = jnp.ones((h0,), dtype=jnp.float32)
    inp["bn0_b"] = jnp.zeros((h0,), dtype=jnp.float32)
    inp["W1"] = jax.random.normal(ks[6], (h0, 256), dtype=jnp.float32) * (1.0 / np.sqrt(h0))
    inp["b1"] = jnp.zeros((256,), dtype=jnp.float32)
    inp["bn1_g"] = jnp.ones((256,), dtype=jnp.float32)
    inp["bn1_b"] = jnp.zeros((256,), dtype=jnp.float32)
    inp["W2"] = jax.random.normal(ks[7], (256, 128), dtype=jnp.float32) * (1.0 / np.sqrt(256))
    inp["b2"] = jnp.zeros((128,), dtype=jnp.float32)
    inp["bn2_g"] = jnp.ones((128,), dtype=jnp.float32)
    inp["bn2_b"] = jnp.zeros((128,), dtype=jnp.float32)
    inp["W3"] = jax.random.normal(ks[8], (128, 1), dtype=jnp.float32) * (1.0 / np.sqrt(128))
    inp["b3"] = jnp.zeros((1,), dtype=jnp.float32)
    inp["global_bias"] = jnp.zeros((1,), dtype=jnp.float32)
    return inp

def reference(ids, sparse_xs, dense_xs, emb_table, lin_table, Wd, bd, Wdl, bdl, bn0_g, bn0_b, W1, b1, bn1_g, bn1_b, W2, b2, bn2_g, bn2_b, W3, b3, global_bias):
    # FieldEncoder: per-field embedding gather (shared flat table with per-field offsets)
    offsets = jnp.arange(F, dtype=ids.dtype) * V
    flat = (ids + offsets[None, :]).reshape(-1)
    field_emb = jnp.take(emb_table, flat, axis=0).reshape(B, F, D)
    dense_emb = dense_xs @ Wd + bd
    embs = jnp.concatenate([field_emb, dense_emb[:, None, :]], axis=1)  # [B, NF, D]
    embs = jnp.transpose(embs, (0, 2, 1))  # [B, D, NF] (emb dim, fields)
    field_lin = jnp.take(lin_table, flat, axis=0).reshape(B, F, 1)
    dense_lin = (dense_xs @ Wdl + bdl)[:, None, :]
    linear_part = jnp.transpose(jnp.concatenate([field_lin, dense_lin], axis=1), (0, 2, 1))  # [B, 1, NF]
    # calc_fm_score
    order_1 = jnp.sum(linear_part, axis=(1, 2))
    order_2 = jnp.sum(jnp.sum(embs, axis=-1) ** 2, axis=-1) - jnp.sum(embs ** 2, axis=(1, 2))
    fm_score = order_1 + 0.5 * order_2
    # deep net (eval mode: BN with running stats mean=0, var=1; dropout identity)
    x = embs.reshape(B, -1)
    inv = 1.0 / jnp.sqrt(1.0 + EPS)
    x = bn0_g * (x * inv) + bn0_b
    x = x @ W1 + b1
    x = jnp.where(x >= 0, x, 0.2 * x)
    x = bn1_g * (x * inv) + bn1_b
    x = x @ W2 + b2
    x = jnp.where(x >= 0, x, 0.2 * x)
    x = bn2_g * (x * inv) + bn2_b
    z = x @ W3 + b3
    z = z + fm_score[:, None] + global_bias
    return z

if __name__ == "__main__":
    import jax
    _d = setup_inputs()
    print(jax.jit(kernel)(*tuple(_d.values())))

</pallas_src>

<mosaic_0001>
#map = affine_map<(d0, d1) -> (0)>
#map1 = affine_map<(d0, d1) -> (0, 0)>
module attributes {stable_mosaic.version = 14 : i64} {
  func.func @_sc_emb_body(%arg0: i32, %arg1: i32, %arg2: memref<106496xi32, #tpu.memory_space<hbm>>, %arg3: memref<2600000x128xf32, #tpu.memory_space<hbm>>, %arg4: memref<106496x128xf32, #tpu.memory_space<hbm>>, %arg5: memref<3328xi32, #tpu.memory_space<vmem>>, %arg6: memref<2x128x128xf32, #tpu.memory_space<vmem>>, %arg7: memref<!tpu.dma_semaphore, #tpu.memory_space<semaphore_mem>>) attributes {dimension_semantics = [#tpu.dimension_semantics<core_parallel>, #tpu.dimension_semantics<subcore_parallel>], iteration_bounds = array<i64: 2, 16>, scalar_prefetch = 0 : i64, scratch_operands = 3 : i64, tpu.core_type = #tpu.core_type<sc_vector_subcore>, window_params = [{transform_indices = #map}, {transform_indices = #map1}, {transform_indices = #map1}]} {
    %mul3A = arith.constant 2 : i32
    %mul3A_0 = arith.muli %arg1, %mul3A : i32
    %add3A = arith.addi %mul3A_0, %arg0 : i32
    %mul3A_1 = arith.constant 3328 : i32
    %mul3A_2 = arith.muli %add3A, %mul3A_1 : i32
    "tpu.region"() ({
      %run_scoped3A = tpu.sem_alloc : memref<!tpu.dma_semaphore, #tpu.memory_space<semaphore_mem>>
      %dma_start3A_17 = tpu.memref_slice %arg2[%mul3A_2] : memref<106496xi32, #tpu.memory_space<hbm>> -> memref<3328xi32, #tpu.memory_space<hbm>>
      %dma_start3A_18 = tpu.memref_slice %arg2[%mul3A_2] : memref<106496xi32, #tpu.memory_space<hbm>> -> memref<3328xi32, #tpu.memory_space<hbm>>
      tpu.enqueue_dma source(%dma_start3A_18 : memref<3328xi32, #tpu.memory_space<hbm>>) target(%arg5 : memref<3328xi32, #tpu.memory_space<vmem>>) target_semaphore(%run_scoped3A : memref<!tpu.dma_semaphore, #tpu.memory_space<semaphore_mem>>)
      %dma_wait3A = tpu.memref_slice %arg2[%mul3A_2] : memref<106496xi32, #tpu.memory_space<hbm>> -> memref<3328xi32, #tpu.memory_space<hbm>>
      %dma_wait3A_19 = tpu.memref_slice %arg2[%mul3A_2] : memref<106496xi32, #tpu.memory_space<hbm>> -> memref<3328xi32, #tpu.memory_space<hbm>>
      tpu.wait_dma2 semaphore(%run_scoped3A : memref<!tpu.dma_semaphore, #tpu.memory_space<semaphore_mem>>) src(%dma_wait3A_19 : memref<3328xi32, #tpu.memory_space<hbm>>) dst(%arg5 : memref<3328xi32, #tpu.memory_space<vmem>>)
      tpu.yield
    }) : () -> ()
    %dma_start3A = arith.constant 0 : i32
    %dma_start3A_3 = arith.constant 0 : i32
    %dma_start3A_4 = arith.constant 0 : i32
    %dma_start3A_5 = tpu.memref_slice %arg6[%dma_start3A, %dma_start3A_3, %dma_start3A_4] : memref<2x128x128xf32, #tpu.memory_space<vmem>> -> memref<1x128x128xf32, #tpu.memory_space<vmem>>
    %dma_start3A_6 = tpu.memref_squeeze %dma_start3A_5 : memref<1x128x128xf32, #tpu.memory_space<vmem>> -> memref<128x128xf32, #tpu.memory_space<vmem>>
    %dma_start3A_7 = arith.constant 0 : i32
    %dma_start3A_8 = tpu.memref_slice %arg5[%dma_start3A_7] : memref<3328xi32, #tpu.memory_space<vmem>> -> memref<128xi32, #tpu.memory_space<vmem>>
    %dma_start3A_9 = arith.constant 0 : i32
    %dma_start3A_10 = arith.constant 0 : i32
    %dma_start3A_11 = tpu.memref_slice %arg3[%dma_start3A_9, %dma_start3A_10] : memref<2600000x128xf32, #tpu.memory_space<hbm>> -> memref<2600000x128xf32, #tpu.memory_space<hbm>>
    tpu.enqueue_indirect_dma source(%dma_start3A_11 : memref<2600000x128xf32, #tpu.memory_space<hbm>>) target(%dma_start3A_6 : memref<128x128xf32, #tpu.memory_space<vmem>>) offsets(%dma_start3A_8 : memref<128xi32, #tpu.memory_space<vmem>>) semaphore(%arg7 : memref<!tpu.dma_semaphore, #tpu.memory_space<semaphore_mem>>)
    %scan3A = arith.constant 0 : i32
    %scan3A_12 = arith.constant 0 : i32
    %scan3A_13 = arith.constant 26 : i32
    %scan3A_14 = arith.addi %scan3A_12, %scan3A_13 : i32
    %scan3A_15 = arith.constant 1 : i32
    scf.for %scan3A_17 = %scan3A_12 to %scan3A_14 step %scan3A_15  : i32 {
      %rem3A = arith.constant 2 : i32
      %rem3A_18 = arith.remsi %scan3A_17, %rem3A : i32
      %add3A_19 = arith.constant 1 : i32
      %add3A_20 = arith.addi %scan3A_17, %add3A_19 : i32
      %lt3A = arith.constant 26 : i32
      %lt3A_21 = arith.cmpi slt, %add3A_20, %lt3A : i32
      %convert_element_type3A = arith.extui %lt3A_21 : i1 to i32
      %cond3A = arith.constant 0 : i32
      %cond3A_22 = arith.cmpi ne, %convert_element_type3A, %cond3A : i32
      scf.if %cond3A_22 {
        %add3A_35 = arith.constant 1 : i32
        %add3A_36 = arith.addi %scan3A_17, %add3A_35 : i32
        %sub3A = arith.constant 1 : i32
        %sub3A_37 = arith.subi %sub3A, %rem3A_18 : i32
        %mul3A_38 = arith.constant 128 : i32
        %mul3A_39 = arith.muli %add3A_36, %mul3A_38 : i32
        %dma_start3A_40 = arith.constant 0 : i32
        %dma_start3A_41 = arith.constant 0 : i32
        %dma_start3A_42 = tpu.memref_slice %arg6[%sub3A_37, %dma_start3A_40, %dma_start3A_41] : memref<2x128x128xf32, #tpu.memory_space<vmem>> -> memref<1x128x128xf32, #tpu.memory_space<vmem>>
        %dma_start3A_43 = tpu.memref_squeeze %dma_start3A_42 : memref<1x128x128xf32, #tpu.memory_space<vmem>> -> memref<128x128xf32, #tpu.memory_space<vmem>>
        %dma_start3A_44 = tpu.memref_slice %arg5[%mul3A_39] : memref<3328xi32, #tpu.memory_space<vmem>> -> memref<128xi32, #tpu.memory_space<vmem>>
        %dma_start3A_45 = arith.constant 0 : i32
        %dma_start3A_46 = arith.constant 0 : i32
        %dma_start3A_47 = tpu.memref_slice %arg3[%dma_start3A_45, %dma_start3A_46] : memref<2600000x128xf32, #tpu.memory_space<hbm>> -> memref<2600000x128xf32, #tpu.memory_space<hbm>>
        tpu.enqueue_indirect_dma source(%dma_start3A_47 : memref<2600000x128xf32, #tpu.memory_space<hbm>>) target(%dma_start3A_43 : memref<128x128xf32, #tpu.memory_space<vmem>>) offsets(%dma_start3A_44 : memref<128xi32, #tpu.memory_space<vmem>>) semaphore(%arg7 : memref<!tpu.dma_semaphore, #tpu.memory_space<semaphore_mem>>)
      } else {
      }
      %mul3A_23 = arith.constant 128 : i32
      %mul3A_24 = arith.muli %scan3A_17, %mul3A_23 : i32
      %dma_wait3A = arith.constant 0 : i32
      %dma_wait3A_25 = arith.constant 0 : i32
      %dma_wait3A_26 = tpu.memref_slice %arg6[%rem3A_18, %dma_wait3A, %dma_wait3A_25] : memref<2x128x128xf32, #tpu.memory_space<vmem>> -> memref<1x128x128xf32, #tpu.memory_space<vmem>>
      %dma_wait3A_27 = tpu.memref_squeeze %dma_wait3A_26 : memref<1x128x128xf32, #tpu.memory_space<vmem>> -> memref<128x128xf32, #tpu.memory_space<vmem>>
      %dma_wait3A_28 = tpu.memref_slice %arg5[%mul3A_24] : memref<3328xi32, #tpu.memory_space<vmem>> -> memref<128xi32, #tpu.memory_space<vmem>>
      %dma_wait3A_29 = arith.constant 0 : i32
      %dma_wait3A_30 = arith.constant 0 : i32
      %dma_wait3A_31 = tpu.memref_slice %arg3[%dma_wait3A_29, %dma_wait3A_30] : memref<2600000x128xf32, #tpu.memory_space<hbm>> -> memref<2600000x128xf32, #tpu.memory_space<hbm>>
      tpu.wait_indirect_dma semaphore(%arg7 : memref<!tpu.dma_semaphore, #tpu.memory_space<semaphore_mem>>) src(%dma_wait3A_31 : memref<2600000x128xf32, #tpu.memory_space<hbm>>) dst(%dma_wait3A_27 : memref<128x128xf32, #tpu.memory_space<vmem>>)
      %mul3A_32 = arith.constant 128 : i32
      %mul3A_33 = arith.muli %scan3A_17, %mul3A_32 : i32
      %add3A_34 = arith.addi %mul3A_2, %mul3A_33 : i32
      "tpu.region"() ({
        %run_scoped3A = tpu.sem_alloc : memref<!tpu.dma_semaphore, #tpu.memory_space<semaphore_mem>>
        %dma_start3A_35 = arith.constant 0 : i32
        %dma_start3A_36 = arith.constant 0 : i32
        %dma_start3A_37 = tpu.memref_slice %arg6[%rem3A_18, %dma_start3A_35, %dma_start3A_36] : memref<2x128x128xf32, #tpu.memory_space<vmem>> -> memref<1x128x128xf32, #tpu.memory_space<vmem>>
        %dma_start3A_38 = tpu.memref_squeeze %dma_start3A_37 : memref<1x128x128xf32, #tpu.memory_space<vmem>> -> memref<128x128xf32, #tpu.memory_space<vmem>>
        %dma_start3A_39 = arith.constant 0 : i32
        %dma_start3A_40 = tpu.memref_slice %arg4[%add3A_34, %dma_start3A_39] : memref<106496x128xf32, #tpu.memory_space<hbm>> -> memref<128x128xf32, #tpu.memory_space<hbm>>
        %dma_start3A_41 = arith.constant 0 : i32
        %dma_start3A_42 = tpu.memref_slice %arg4[%add3A_34, %dma_start3A_41] : memref<106496x128xf32, #tpu.memory_space<hbm>> -> memref<128x128xf32, #tpu.memory_space<hbm>>
        %dma_start3A_43 = arith.constant 0 : i32
        %dma_start3A_44 = arith.constant 0 : i32
        %dma_start3A_45 = tpu.memref_slice %arg6[%rem3A_18, %dma_start3A_43, %dma_start3A_44] : memref<2x128x128xf32, #tpu.memory_space<vmem>> -> memref<1x128x128xf32, #tpu.memory_space<vmem>>
        %dma_start3A_46 = tpu.memref_squeeze %dma_start3A_45 : memref<1x128x128xf32, #tpu.memory_space<vmem>> -> memref<128x128xf32, #tpu.memory_space<vmem>>
        tpu.enqueue_dma source(%dma_start3A_46 : memref<128x128xf32, #tpu.memory_space<vmem>>) target(%dma_start3A_42 : memref<128x128xf32, #tpu.memory_space<hbm>>) target_semaphore(%run_scoped3A : memref<!tpu.dma_semaphore, #tpu.memory_space<semaphore_mem>>)
        %dma_wait3A_47 = arith.constant 0 : i32
        %dma_wait3A_48 = arith.constant 0 : i32
        %dma_wait3A_49 = tpu.memref_slice %arg6[%rem3A_18, %dma_wait3A_47, %dma_wait3A_48] : memref<2x128x128xf32, #tpu.memory_space<vmem>> -> memref<1x128x128xf32, #tpu.memory_space<vmem>>
        %dma_wait3A_50 = tpu.memref_squeeze %dma_wait3A_49 : memref<1x128x128xf32, #tpu.memory_space<vmem>> -> memref<128x128xf32, #tpu.memory_space<vmem>>
        %dma_wait3A_51 = arith.constant 0 : i32
        %dma_wait3A_52 = tpu.memref_slice %arg4[%add3A_34, %dma_wait3A_51] : memref<106496x128xf32, #tpu.memory_space<hbm>> -> memref<128x128xf32, #tpu.memory_space<hbm>>
        %dma_wait3A_53 = arith.constant 0 : i32
        %dma_wait3A_54 = tpu.memref_slice %arg4[%add3A_34, %dma_wait3A_53] : memref<106496x128xf32, #tpu.memory_space<hbm>> -> memref<128x128xf32, #tpu.memory_space<hbm>>
        %dma_wait3A_55 = arith.constant 0 : i32
        %dma_wait3A_56 = arith.constant 0 : i32
        %dma_wait3A_57 = tpu.memref_slice %arg6[%rem3A_18, %dma_wait3A_55, %dma_wait3A_56] : memref<2x128x128xf32, #tpu.memory_space<vmem>> -> memref<1x128x128xf32, #tpu.memory_space<vmem>>
        %dma_wait3A_58 = tpu.memref_squeeze %dma_wait3A_57 : memref<1x128x128xf32, #tpu.memory_space<vmem>> -> memref<128x128xf32, #tpu.memory_space<vmem>>
        tpu.wait_dma2 semaphore(%run_scoped3A : memref<!tpu.dma_semaphore, #tpu.memory_space<semaphore_mem>>) src(%dma_wait3A_58 : memref<128x128xf32, #tpu.memory_space<vmem>>) dst(%dma_wait3A_54 : memref<128x128xf32, #tpu.memory_space<hbm>>)
        tpu.yield
      }) : () -> ()
    }
    %scan3A_16 = arith.constant 26 : i32
    return
  }
}

#map = affine_map<(d0, d1) -> (0)>
#map1 = affine_map<(d0, d1) -> (0, 0)>
module attributes {stable_mosaic.version = 14 : i64} {
  func.func @_sc_lin_body(%arg0: i32, %arg1: i32, %arg2: memref<106496xi32, #tpu.memory_space<hbm>>, %arg3: memref<162500x16xf32, #tpu.memory_space<hbm>>, %arg4: memref<106496x16xf32, #tpu.memory_space<hbm>>, %arg5: memref<3328xi32, #tpu.memory_space<vmem>>, %arg6: memref<3328x16xf32, #tpu.memory_space<vmem>>, %arg7: memref<!tpu.dma_semaphore, #tpu.memory_space<semaphore_mem>>) attributes {dimension_semantics = [#tpu.dimension_semantics<core_parallel>, #tpu.dimension_semantics<subcore_parallel>], iteration_bounds = array<i64: 2, 16>, scalar_prefetch = 0 : i64, scratch_operands = 3 : i64, tpu.core_type = #tpu.core_type<sc_vector_subcore>, window_params = [{transform_indices = #map}, {transform_indices = #map1}, {transform_indices = #map1}]} {
    %mul3A = arith.constant 2 : i32
    %mul3A_0 = arith.muli %arg1, %mul3A : i32
    %add3A = arith.addi %mul3A_0, %arg0 : i32
    %mul3A_1 = arith.constant 3328 : i32
    %mul3A_2 = arith.muli %add3A, %mul3A_1 : i32
    "tpu.region"() ({
      %run_scoped3A = tpu.sem_alloc : memref<!tpu.dma_semaphore, #tpu.memory_space<semaphore_mem>>
      %dma_start3A = tpu.memref_slice %arg2[%mul3A_2] : memref<106496xi32, #tpu.memory_space<hbm>> -> memref<3328xi32, #tpu.memory_space<hbm>>
      %dma_start3A_14 = tpu.memref_slice %arg2[%mul3A_2] : memref<106496xi32, #tpu.memory_space<hbm>> -> memref<3328xi32, #tpu.memory_space<hbm>>
      tpu.enqueue_dma source(%dma_start3A_14 : memref<3328xi32, #tpu.memory_space<hbm>>) target(%arg5 : memref<3328xi32, #tpu.memory_space<vmem>>) target_semaphore(%run_scoped3A : memref<!tpu.dma_semaphore, #tpu.memory_space<semaphore_mem>>)
      %dma_wait3A = tpu.memref_slice %arg2[%mul3A_2] : memref<106496xi32, #tpu.memory_space<hbm>> -> memref<3328xi32, #tpu.memory_space<hbm>>
      %dma_wait3A_15 = tpu.memref_slice %arg2[%mul3A_2] : memref<106496xi32, #tpu.memory_space<hbm>> -> memref<3328xi32, #tpu.memory_space<hbm>>
      tpu.wait_dma2 semaphore(%run_scoped3A : memref<!tpu.dma_semaphore, #tpu.memory_space<semaphore_mem>>) src(%dma_wait3A_15 : memref<3328xi32, #tpu.memory_space<hbm>>) dst(%arg5 : memref<3328xi32, #tpu.memory_space<vmem>>)
      tpu.yield
    }) : () -> ()
    %scan3A = arith.constant 0 : i32
    %scan3A_3 = arith.constant 0 : i32
    %scan3A_4 = arith.constant 26 : i32
    %scan3A_5 = arith.addi %scan3A_3, %scan3A_4 : i32
    %scan3A_6 = arith.constant 1 : i32
    scf.for %scan3A_14 = %scan3A_3 to %scan3A_5 step %scan3A_6  : i32 {
      %mul3A_15 = arith.constant 128 : i32
      %mul3A_16 = arith.muli %scan3A_14, %mul3A_15 : i32
      %dma_start3A = arith.constant 0 : i32
      %dma_start3A_17 = tpu.memref_slice %arg6[%mul3A_16, %dma_start3A] : memref<3328x16xf32, #tpu.memory_space<vmem>> -> memref<128x16xf32, #tpu.memory_space<vmem>>
      %dma_start3A_18 = tpu.memref_slice %arg5[%mul3A_16] : memref<3328xi32, #tpu.memory_space<vmem>> -> memref<128xi32, #tpu.memory_space<vmem>>
      %dma_start3A_19 = arith.constant 0 : i32
      %dma_start3A_20 = arith.constant 0 : i32
      %dma_start3A_21 = tpu.memref_slice %arg3[%dma_start3A_19, %dma_start3A_20] : memref<162500x16xf32, #tpu.memory_space<hbm>> -> memref<162500x16xf32, #tpu.memory_space<hbm>>
      tpu.enqueue_indirect_dma source(%dma_start3A_21 : memref<162500x16xf32, #tpu.memory_space<hbm>>) target(%dma_start3A_17 : memref<128x16xf32, #tpu.memory_space<vmem>>) offsets(%dma_start3A_18 : memref<128xi32, #tpu.memory_space<vmem>>) semaphore(%arg7 : memref<!tpu.dma_semaphore, #tpu.memory_space<semaphore_mem>>)
    }
    %scan3A_7 = arith.constant 26 : i32
    %scan3A_8 = arith.constant 0 : i32
    %scan3A_9 = arith.constant 0 : i32
    %scan3A_10 = arith.constant 26 : i32
    %scan3A_11 = arith.addi %scan3A_9, %scan3A_10 : i32
    %scan3A_12 = arith.constant 1 : i32
    scf.for %scan3A_14 = %scan3A_9 to %scan3A_11 step %scan3A_12  : i32 {
      %mul3A_15 = arith.constant 128 : i32
      %mul3A_16 = arith.muli %scan3A_14, %mul3A_15 : i32
      %dma_wait3A = arith.constant 0 : i32
      %dma_wait3A_17 = tpu.memref_slice %arg6[%mul3A_16, %dma_wait3A] : memref<3328x16xf32, #tpu.memory_space<vmem>> -> memref<128x16xf32, #tpu.memory_space<vmem>>
      %dma_wait3A_18 = tpu.memref_slice %arg5[%mul3A_16] : memref<3328xi32, #tpu.memory_space<vmem>> -> memref<128xi32, #tpu.memory_space<vmem>>
      %dma_wait3A_19 = arith.constant 0 : i32
      %dma_wait3A_20 = arith.constant 0 : i32
      %dma_wait3A_21 = tpu.memref_slice %arg3[%dma_wait3A_19, %dma_wait3A_20] : memref<162500x16xf32, #tpu.memory_space<hbm>> -> memref<162500x16xf32, #tpu.memory_space<hbm>>
      tpu.wait_indirect_dma semaphore(%arg7 : memref<!tpu.dma_semaphore, #tpu.memory_space<semaphore_mem>>) src(%dma_wait3A_21 : memref<162500x16xf32, #tpu.memory_space<hbm>>) dst(%dma_wait3A_17 : memref<128x16xf32, #tpu.memory_space<vmem>>)
    }
    %scan3A_13 = arith.constant 26 : i32
    "tpu.region"() ({
      %run_scoped3A = tpu.sem_alloc : memref<!tpu.dma_semaphore, #tpu.memory_space<semaphore_mem>>
      %dma_start3A = arith.constant 0 : i32
      %dma_start3A_14 = tpu.memref_slice %arg4[%mul3A_2, %dma_start3A] : memref<106496x16xf32, #tpu.memory_space<hbm>> -> memref<3328x16xf32, #tpu.memory_space<hbm>>
      %dma_start3A_15 = arith.constant 0 : i32
      %dma_start3A_16 = tpu.memref_slice %arg4[%mul3A_2, %dma_start3A_15] : memref<106496x16xf32, #tpu.memory_space<hbm>> -> memref<3328x16xf32, #tpu.memory_space<hbm>>
      tpu.enqueue_dma source(%arg6 : memref<3328x16xf32, #tpu.memory_space<vmem>>) target(%dma_start3A_16 : memref<3328x16xf32, #tpu.memory_space<hbm>>) target_semaphore(%run_scoped3A : memref<!tpu.dma_semaphore, #tpu.memory_space<semaphore_mem>>)
      %dma_wait3A = arith.constant 0 : i32
      %dma_wait3A_17 = tpu.memref_slice %arg4[%mul3A_2, %dma_wait3A] : memref<106496x16xf32, #tpu.memory_space<hbm>> -> memref<3328x16xf32, #tpu.memory_space<hbm>>
      %dma_wait3A_18 = arith.constant 0 : i32
      %dma_wait3A_19 = tpu.memref_slice %arg4[%mul3A_2, %dma_wait3A_18] : memref<106496x16xf32, #tpu.memory_space<hbm>> -> memref<3328x16xf32, #tpu.memory_space<hbm>>
      tpu.wait_dma2 semaphore(%run_scoped3A : memref<!tpu.dma_semaphore, #tpu.memory_space<semaphore_mem>>) src(%arg6 : memref<3328x16xf32, #tpu.memory_space<vmem>>) dst(%dma_wait3A_19 : memref<3328x16xf32, #tpu.memory_space<hbm>>)
      tpu.yield
    }) : () -> ()
    return
  }
}

module attributes {stable_mosaic.version = 14 : i64} {
  func.func @_tr_body(%arg0: i32, %arg1: memref<16x16384xf32, #tpu.memory_space<vmem>>, %arg2: memref<16384x128xf32, #tpu.memory_space<vmem>>) attributes {dimension_semantics = [#tpu.dimension_semantics<arbitrary>], iteration_bounds = array<i64: 159>, scalar_prefetch = 0 : i64, scratch_operands = 0 : i64, tpu.core_type = #tpu.core_type<tc>, window_params = [{transform_indices = @transform_0, window_bounds = array<i64: 16, 16384>}, {transform_indices = @transform_1, window_bounds = array<i64: 16384, 128>}]} {
    %get3A = arith.constant 0 : index
    %get3A_0 = arith.constant 0 : index
    %get3A_1 = vector.load %arg1[%get3A, %get3A_0] : memref<16x16384xf32, #tpu.memory_space<vmem>>, vector<16x16384xf32>
    %transpose3A = tpu.transpose %get3A_1, [1, 0] : vector<16x16384xf32> -> vector<16384x16xf32>
    %swap3A = arith.constant 0 : index
    %swap3A_2 = arith.constant 0 : index
    %swap3A_3 = vector.load %arg2[%swap3A, %swap3A_2] : memref<16384x128xf32, #tpu.memory_space<vmem>>, vector<16384x16xf32>
    tpu.vector_store %arg2[%swap3A, %swap3A_2], %transpose3A {strides = array<i32>} : memref<16384x128xf32, #tpu.memory_space<vmem>>, vector<16384x16xf32>,
    return
  }
  func.func @transform_0(%arg0: i32) -> (i32, i32) {
    %c0_i32 = arith.constant 0 : i32
    %c0_i32_0 = arith.constant 0 : i32
    return %c0_i32, %arg0 : i32, i32
  }
  func.func @transform_1(%arg0: i32) -> (i32, i32) {
    %c0_i32 = arith.constant 0 : i32
    %c0_i32_0 = arith.constant 0 : i32
    return %arg0, %c0_i32 : i32, i32
  }
}

module attributes {stable_mosaic.version = 14 : i64} {
  func.func @_tc_body(%arg0: i32, %arg1: memref<256x416xf32, #tpu.memory_space<vmem>>, %arg2: memref<256x416xf32, #tpu.memory_space<vmem>>, %arg3: memref<256x26xf32, #tpu.memory_space<vmem>>, %arg4: memref<256x13xf32, #tpu.memory_space<vmem>>, %arg5: memref<13x16xf32, #tpu.memory_space<vmem>>, %arg6: memref<1x16xf32, #tpu.memory_space<vmem>>, %arg7: memref<1x13xf32, #tpu.memory_space<vmem>>, %arg8: memref<416x16xf32, #tpu.memory_space<vmem>>, %arg9: memref<26x416xf32, #tpu.memory_space<vmem>>, %arg10: memref<416x256xf32, #tpu.memory_space<vmem>>, %arg11: memref<16x256xf32, #tpu.memory_space<vmem>>, %arg12: memref<1x256xf32, #tpu.memory_space<vmem>>, %arg13: memref<256x128xf32, #tpu.memory_space<vmem>>, %arg14: memref<1x128xf32, #tpu.memory_space<vmem>>, %arg15: memref<1x128xf32, #tpu.memory_space<vmem>>, %arg16: memref<1x1xf32, #tpu.memory_space<vmem>>, %arg17: memref<256x1xf32, #tpu.memory_space<vmem>>) attributes {dimension_semantics = [#tpu.dimension_semantics<arbitrary>], iteration_bounds = array<i64: 16>, scalar_prefetch = 0 : i64, scratch_operands = 0 : i64, tpu.core_type = #tpu.core_type<tc>, window_params = [{transform_indices = @transform_0, window_bounds = array<i64: 256, 416>}, {transform_indices = @transform_1, window_bounds = array<i64: 256, 416>}, {transform_indices = @transform_2, window_bounds = array<i64: 256, 26>}, {transform_indices = @transform_3, window_bounds = array<i64: 256, 13>}, {pipeline_mode = #tpu.pipeline_mode<synchronous>, transform_indices = @transform_4, window_bounds = array<i64: 13, 16>}, {pipeline_mode = #tpu.pipeline_mode<synchronous>, transform_indices = @transform_5, window_bounds = array<i64: 1, 16>}, {pipeline_mode = #tpu.pipeline_mode<synchronous>, transform_indices = @transform_6, window_bounds = array<i64: 1, 13>}, {pipeline_mode = #tpu.pipeline_mode<synchronous>, transform_indices = @transform_7, window_bounds = array<i64: 416, 16>}, {pipeline_mode = #tpu.pipeline_mode<synchronous>, transform_indices = @transform_8, window_bounds = array<i64: 26, 416>}, {pipeline_mode = #tpu.pipeline_mode<synchronous>, transform_indices = @transform_9, window_bounds = array<i64: 416, 256>}, {pipeline_mode = #tpu.pipeline_mode<synchronous>, transform_indices = @transform_10, window_bounds = array<i64: 16, 256>}, {pipeline_mode = #tpu.pipeline_mode<synchronous>, transform_indices = @transform_11, window_bounds = array<i64: 1, 256>}, {pipeline_mode = #tpu.pipeline_mode<synchronous>, transform_indices = @transform_12, window_bounds = array<i64: 256, 128>}, {pipeline_mode = #tpu.pipeline_mode<synchronous>, transform_indices = @transform_13, window_bounds = array<i64: 1, 128>}, {pipeline_mode = #tpu.pipeline_mode<synchronous>, transform_indices = @transform_14, window_bounds = array<i64: 1, 128>}, {pipeline_mode = #tpu.pipeline_mode<synchronous>, transform_indices = @transform_15, window_bounds = array<i64: 1, 1>}, {transform_indices = @transform_16, window_bounds = array<i64: 256, 1>}]} {
    %get3A = arith.constant 0 : index
    %get3A_0 = arith.constant 0 : index
    %get3A_1 = vector.load %arg1[%get3A, %get3A_0] : memref<256x416xf32, #tpu.memory_space<vmem>>, vector<256x416xf32>
    %get3A_2 = arith.constant 0 : index
    %get3A_3 = arith.constant 0 : index
    %get3A_4 = vector.load %arg4[%get3A_2, %get3A_3] : memref<256x13xf32, #tpu.memory_space<vmem>>, vector<256x13xf32>
    %get3A_5 = arith.constant 0 : index
    %get3A_6 = arith.constant 0 : index
    %get3A_7 = vector.load %arg5[%get3A_5, %get3A_6] : memref<13x16xf32, #tpu.memory_space<vmem>>, vector<13x16xf32>
    %dot_general3A = arith.constant dense<0.000000e+00> : vector<256x16xf32>
    %dot_general3A_8 = tpu.matmul %get3A_4, %get3A_7, %dot_general3A {dimension_numbers = #tpu.dot_dimension_numbers<[1], [0], [0], [1], [0, 0, 1, 1], [], []>, transpose_lhs_hint = false} : vector<256x13xf32>, vector<13x16xf32>, vector<256x16xf32> -> vector<256x16xf32>
    %get3A_9 = arith.constant 0 : index
    %get3A_10 = arith.constant 0 : index
    %get3A_11 = vector.load %arg6[%get3A_9, %get3A_10] : memref<1x16xf32, #tpu.memory_space<vmem>>, vector<1x16xf32>
    %add3A = vector.broadcast %get3A_11 : vector<1x16xf32> to vector<256x16xf32>
    %add3A_12 = arith.addf %dot_general3A_8, %add3A : vector<256x16xf32>
    %get3A_13 = arith.constant 0 : index
    %get3A_14 = arith.constant 0 : index
    %get3A_15 = vector.load %arg8[%get3A_13, %get3A_14] : memref<416x16xf32, #tpu.memory_space<vmem>>, vector<416x16xf32>
    %dot_general3A_16 = arith.constant dense<0.000000e+00> : vector<256x16xf32>
    %dot_general3A_17 = tpu.matmul %get3A_1, %get3A_15, %dot_general3A_16 {dimension_numbers = #tpu.dot_dimension_numbers<[1], [0], [0], [1], [0, 0, 1, 1], [], []>, transpose_lhs_hint = false} : vector<256x416xf32>, vector<416x16xf32>, vector<256x16xf32> -> vector<256x16xf32>
    %add3A_18 = arith.addf %dot_general3A_17, %add3A_12 : vector<256x16xf32>
    %mul3A = arith.mulf %get3A_1, %get3A_1 : vector<256x416xf32>
    %reduce_sum3A = arith.constant dense<0.000000e+00> : vector<256xf32>
    %reduce_sum3A_19 = vector.multi_reduction <add>, %mul3A, %reduce_sum3A [1] : vector<256x416xf32> to vector<256xf32>
    %broadcast_in_dim3A = vector.shape_cast %reduce_sum3A_19 : vector<256xf32> to vector<256x1xf32>
    %mul3A_20 = arith.mulf %add3A_12, %add3A_12 : vector<256x16xf32>
    %reduce_sum3A_21 = arith.constant dense<0.000000e+00> : vector<256xf32>
    %reduce_sum3A_22 = vector.multi_reduction <add>, %mul3A_20, %reduce_sum3A_21 [1] : vector<256x16xf32> to vector<256xf32>
    %broadcast_in_dim3A_23 = vector.shape_cast %reduce_sum3A_22 : vector<256xf32> to vector<256x1xf32>
    %add3A_24 = arith.addf %broadcast_in_dim3A, %broadcast_in_dim3A_23 : vector<256x1xf32>
    %mul3A_25 = arith.mulf %add3A_18, %add3A_18 : vector<256x16xf32>
    %reduce_sum3A_26 = arith.constant dense<0.000000e+00> : vector<256xf32>
    %reduce_sum3A_27 = vector.multi_reduction <add>, %mul3A_25, %reduce_sum3A_26 [1] : vector<256x16xf32> to vector<256xf32>
    %broadcast_in_dim3A_28 = vector.shape_cast %reduce_sum3A_27 : vector<256xf32> to vector<256x1xf32>
    %sub3A = arith.subf %broadcast_in_dim3A_28, %add3A_24 : vector<256x1xf32>
    %get3A_29 = arith.constant 0 : index
    %get3A_30 = arith.constant 0 : index
    %get3A_31 = vector.load %arg3[%get3A_29, %get3A_30] : memref<256x26xf32, #tpu.memory_space<vmem>>, vector<256x26xf32>
    %get3A_32 = arith.constant 0 : index
    %get3A_33 = arith.constant 0 : index
    %get3A_34 = vector.load %arg9[%get3A_32, %get3A_33] : memref<26x416xf32, #tpu.memory_space<vmem>>, vector<26x416xf32>
    %dot_general3A_35 = arith.constant dense<0.000000e+00> : vector<256x416xf32>
    %dot_general3A_36 = tpu.matmul %get3A_31, %get3A_34, %dot_general3A_35 {dimension_numbers = #tpu.dot_dimension_numbers<[1], [0], [0], [1], [0, 0, 1, 1], [], []>, transpose_lhs_hint = false} : vector<256x26xf32>, vector<26x416xf32>, vector<256x416xf32> -> vector<256x416xf32>
    %iota3A = tpu.iota {dimensions = array<i32: 1>} : vector<256x416xi32>
    %and3A = arith.constant 15 : i32
    %and3A_37 = vector.broadcast %and3A : i32 to vector<256x416xi32>
    %and3A_38 = arith.andi %iota3A, %and3A_37 : vector<256x416xi32>
    %convert_element_type3A = arith.sitofp %and3A_38 : vector<256x416xi32> to vector<256x416xf32>
    %eq3A = arith.cmpf oeq, %dot_general3A_36, %convert_element_type3A : vector<256x416xf32>
    %get3A_39 = arith.constant 0 : index
    %get3A_40 = arith.constant 0 : index
    %get3A_41 = vector.load %arg2[%get3A_39, %get3A_40] : memref<256x416xf32, #tpu.memory_space<vmem>>, vector<256x416xf32>
    %jit3A = arith.constant 0.000000e+00 : f32
    %broadcast_in_dim3A_42 = vector.broadcast %jit3A : f32 to vector<256x416xf32>
    %select_n3A = arith.select %eq3A, %get3A_41, %broadcast_in_dim3A_42 : vector<256x416xi1>, vector<256x416xf32>
    %reduce_sum3A_43 = arith.constant dense<0.000000e+00> : vector<256xf32>
    %reduce_sum3A_44 = vector.multi_reduction <add>, %select_n3A, %reduce_sum3A_43 [1] : vector<256x416xf32> to vector<256xf32>
    %broadcast_in_dim3A_45 = vector.shape_cast %reduce_sum3A_44 : vector<256xf32> to vector<256x1xf32>
    %get3A_46 = arith.constant 0 : index
    %get3A_47 = arith.constant 0 : index
    %get3A_48 = vector.load %arg7[%get3A_46, %get3A_47] : memref<1x13xf32, #tpu.memory_space<vmem>>, vector<1x13xf32>
    %mul3A_49 = vector.broadcast %get3A_48 : vector<1x13xf32> to vector<256x13xf32>
    %mul3A_50 = arith.mulf %get3A_4, %mul3A_49 : vector<256x13xf32>
    %reduce_sum3A_51 = arith.constant dense<0.000000e+00> : vector<256xf32>
    %reduce_sum3A_52 = vector.multi_reduction <add>, %mul3A_50, %reduce_sum3A_51 [1] : vector<256x13xf32> to vector<256xf32>
    %broadcast_in_dim3A_53 = vector.shape_cast %reduce_sum3A_52 : vector<256xf32> to vector<256x1xf32>
    %add3A_54 = arith.addf %broadcast_in_dim3A_45, %broadcast_in_dim3A_53 : vector<256x1xf32>
    %get3A_55 = arith.constant 0 : index
    %get3A_56 = arith.constant 0 : index
    %get3A_57 = vector.load %arg10[%get3A_55, %get3A_56] : memref<416x256xf32, #tpu.memory_space<vmem>>, vector<416x256xf32>
    %dot_general3A_58 = arith.constant dense<0.000000e+00> : vector<256x256xf32>
    %dot_general3A_59 = tpu.matmul %get3A_1, %get3A_57, %dot_general3A_58 {dimension_numbers = #tpu.dot_dimension_numbers<[1], [0], [0], [1], [0, 0, 1, 1], [], []>, transpose_lhs_hint = false} : vector<256x416xf32>, vector<416x256xf32>, vector<256x256xf32> -> vector<256x256xf32>
    %get3A_60 = arith.constant 0 : index
    %get3A_61 = arith.constant 0 : index
    %get3A_62 = vector.load %arg11[%get3A_60, %get3A_61] : memref<16x256xf32, #tpu.memory_space<vmem>>, vector<16x256xf32>
    %dot_general3A_63 = arith.constant dense<0.000000e+00> : vector<256x256xf32>
    %dot_general3A_64 = tpu.matmul %add3A_12, %get3A_62, %dot_general3A_63 {dimension_numbers = #tpu.dot_dimension_numbers<[1], [0], [0], [1], [0, 0, 1, 1], [], []>, transpose_lhs_hint = false} : vector<256x16xf32>, vector<16x256xf32>, vector<256x256xf32> -> vector<256x256xf32>
    %add3A_65 = arith.addf %dot_general3A_59, %dot_general3A_64 : vector<256x256xf32>
    %get3A_66 = arith.constant 0 : index
    %get3A_67 = arith.constant 0 : index
    %get3A_68 = vector.load %arg12[%get3A_66, %get3A_67] : memref<1x256xf32, #tpu.memory_space<vmem>>, vector<1x256xf32>
    %add3A_69 = vector.broadcast %get3A_68 : vector<1x256xf32> to vector<256x256xf32>
    %add3A_70 = arith.addf %add3A_65, %add3A_69 : vector<256x256xf32>
    %ge3A = arith.constant 0.000000e+00 : f32
    %ge3A_71 = vector.broadcast %ge3A : f32 to vector<256x256xf32>
    %ge3A_72 = arith.cmpf oge, %add3A_70, %ge3A_71 : vector<256x256xf32>
    %mul3A_73 = arith.constant 2.000000e-01 : f32
    %mul3A_74 = vector.broadcast %mul3A_73 : f32 to vector<256x256xf32>
    %mul3A_75 = arith.mulf %mul3A_74, %add3A_70 : vector<256x256xf32>
    %select_n3A_76 = arith.select %ge3A_72, %add3A_70, %mul3A_75 : vector<256x256xi1>, vector<256x256xf32>
    %get3A_77 = arith.constant 0 : index
    %get3A_78 = arith.constant 0 : index
    %get3A_79 = vector.load %arg13[%get3A_77, %get3A_78] : memref<256x128xf32, #tpu.memory_space<vmem>>, vector<256x128xf32>
    %dot_general3A_80 = arith.constant dense<0.000000e+00> : vector<256x128xf32>
    %dot_general3A_81 = tpu.matmul %select_n3A_76, %get3A_79, %dot_general3A_80 {dimension_numbers = #tpu.dot_dimension_numbers<[1], [0], [0], [1], [0, 0, 1, 1], [], []>, transpose_lhs_hint = false} : vector<256x256xf32>, vector<256x128xf32>, vector<256x128xf32> -> vector<256x128xf32>
    %get3A_82 = arith.constant 0 : index
    %get3A_83 = arith.constant 0 : index
    %get3A_84 = vector.load %arg14[%get3A_82, %get3A_83] : memref<1x128xf32, #tpu.memory_space<vmem>>, vector<1x128xf32>
    %add3A_85 = vector.broadcast %get3A_84 : vector<1x128xf32> to vector<256x128xf32>
    %add3A_86 = arith.addf %dot_general3A_81, %add3A_85 : vector<256x128xf32>
    %ge3A_87 = arith.constant 0.000000e+00 : f32
    %ge3A_88 = vector.broadcast %ge3A_87 : f32 to vector<256x128xf32>
    %ge3A_89 = arith.cmpf oge, %add3A_86, %ge3A_88 : vector<256x128xf32>
    %mul3A_90 = arith.constant 2.000000e-01 : f32
    %mul3A_91 = vector.broadcast %mul3A_90 : f32 to vector<256x128xf32>
    %mul3A_92 = arith.mulf %mul3A_91, %add3A_86 : vector<256x128xf32>
    %select_n3A_93 = arith.select %ge3A_89, %add3A_86, %mul3A_92 : vector<256x128xi1>, vector<256x128xf32>
    %get3A_94 = arith.constant 0 : index
    %get3A_95 = arith.constant 0 : index
    %get3A_96 = vector.load %arg15[%get3A_94, %get3A_95] : memref<1x128xf32, #tpu.memory_space<vmem>>, vector<1x128xf32>
    %mul3A_97 = vector.broadcast %get3A_96 : vector<1x128xf32> to vector<256x128xf32>
    %mul3A_98 = arith.mulf %select_n3A_93, %mul3A_97 : vector<256x128xf32>
    %reduce_sum3A_99 = arith.constant dense<0.000000e+00> : vector<256xf32>
    %reduce_sum3A_100 = vector.multi_reduction <add>, %mul3A_98, %reduce_sum3A_99 [1] : vector<256x128xf32> to vector<256xf32>
    %broadcast_in_dim3A_101 = vector.shape_cast %reduce_sum3A_100 : vector<256xf32> to vector<256x1xf32>
    %add3A_102 = arith.addf %broadcast_in_dim3A_101, %add3A_54 : vector<256x1xf32>
    %mul3A_103 = arith.constant 5.000000e-01 : f32
    %mul3A_104 = vector.broadcast %mul3A_103 : f32 to vector<256x1xf32>
    %mul3A_105 = arith.mulf %mul3A_104, %sub3A : vector<256x1xf32>
    %add3A_106 = arith.addf %add3A_102, %mul3A_105 : vector<256x1xf32>
    %get3A_107 = arith.constant 0 : index
    %get3A_108 = arith.constant 0 : index
    %get3A_109 = vector.load %arg16[%get3A_107, %get3A_108] : memref<1x1xf32, #tpu.memory_space<vmem>>, vector<1x1xf32>
    %add3A_110 = vector.broadcast %get3A_109 : vector<1x1xf32> to vector<256x1xf32>
    %add3A_111 = arith.addf %add3A_106, %add3A_110 : vector<256x1xf32>
    %swap3A = arith.constant 0 : index
    %swap3A_112 = arith.constant 0 : index
    %swap3A_113 = vector.load %arg17[%swap3A, %swap3A_112] : memref<256x1xf32, #tpu.memory_space<vmem>>, vector<256x1xf32>
    tpu.vector_store %arg17[%swap3A, %swap3A_112], %add3A_111 {strides = array<i32>} : memref<256x1xf32, #tpu.memory_space<vmem>>, vector<256x1xf32>,
    return
  }
  func.func @transform_0(%arg0: i32) -> (i32, i32) {
    %c0_i32 = arith.constant 0 : i32
    %c0_i32_0 = arith.constant 0 : i32
    return %arg0, %c0_i32 : i32, i32
  }
  func.func @transform_1(%arg0: i32) -> (i32, i32) {
    %c0_i32 = arith.constant 0 : i32
    %c0_i32_0 = arith.constant 0 : i32
    return %arg0, %c0_i32 : i32, i32
  }
  func.func @transform_2(%arg0: i32) -> (i32, i32) {
    %c0_i32 = arith.constant 0 : i32
    %c0_i32_0 = arith.constant 0 : i32
    return %arg0, %c0_i32 : i32, i32
  }
  func.func @transform_3(%arg0: i32) -> (i32, i32) {
    %c0_i32 = arith.constant 0 : i32
    %c0_i32_0 = arith.constant 0 : i32
    return %arg0, %c0_i32 : i32, i32
  }
  func.func @transform_4(%arg0: i32) -> (i32, i32) {
    %c0_i32 = arith.constant 0 : i32
    %c0_i32_0 = arith.constant 0 : i32
    %c0_i32_1 = arith.constant 0 : i32
    return %c0_i32, %c0_i32_0 : i32, i32
  }
  func.func @transform_5(%arg0: i32) -> (i32, i32) {
    %c0_i32 = arith.constant 0 : i32
    %c0_i32_0 = arith.constant 0 : i32
    %c0_i32_1 = arith.constant 0 : i32
    return %c0_i32, %c0_i32_0 : i32, i32
  }
  func.func @transform_6(%arg0: i32) -> (i32, i32) {
    %c0_i32 = arith.constant 0 : i32
    %c0_i32_0 = arith.constant 0 : i32
    %c0_i32_1 = arith.constant 0 : i32
    return %c0_i32, %c0_i32_0 : i32, i32
  }
  func.func @transform_7(%arg0: i32) -> (i32, i32) {
    %c0_i32 = arith.constant 0 : i32
    %c0_i32_0 = arith.constant 0 : i32
    %c0_i32_1 = arith.constant 0 : i32
    return %c0_i32, %c0_i32_0 : i32, i32
  }
  func.func @transform_8(%arg0: i32) -> (i32, i32) {
    %c0_i32 = arith.constant 0 : i32
    %c0_i32_0 = arith.constant 0 : i32
    %c0_i32_1 = arith.constant 0 : i32
    return %c0_i32, %c0_i32_0 : i32, i32
  }
  func.func @transform_9(%arg0: i32) -> (i32, i32) {
    %c0_i32 = arith.constant 0 : i32
    %c0_i32_0 = arith.constant 0 : i32
    %c0_i32_1 = arith.constant 0 : i32
    return %c0_i32, %c0_i32_0 : i32, i32
  }
  func.func @transform_10(%arg0: i32) -> (i32, i32) {
    %c0_i32 = arith.constant 0 : i32
    %c0_i32_0 = arith.constant 0 : i32
    %c0_i32_1 = arith.constant 0 : i32
    return %c0_i32, %c0_i32_0 : i32, i32
  }
  func.func @transform_11(%arg0: i32) -> (i32, i32) {
    %c0_i32 = arith.constant 0 : i32
    %c0_i32_0 = arith.constant 0 : i32
    %c0_i32_1 = arith.constant 0 : i32
    return %c0_i32, %c0_i32_0 : i32, i32
  }
  func.func @transform_12(%arg0: i32) -> (i32, i32) {
    %c0_i32 = arith.constant 0 : i32
    %c0_i32_0 = arith.constant 0 : i32
    %c0_i32_1 = arith.constant 0 : i32
    return %c0_i32, %c0_i32_0 : i32, i32
  }
  func.func @transform_13(%arg0: i32) -> (i32, i32) {
    %c0_i32 = arith.constant 0 : i32
    %c0_i32_0 = arith.constant 0 : i32
    %c0_i32_1 = arith.constant 0 : i32
    return %c0_i32, %c0_i32_0 : i32, i32
  }
  func.func @transform_14(%arg0: i32) -> (i32, i32) {
    %c0_i32 = arith.constant 0 : i32
    %c0_i32_0 = arith.constant 0 : i32
    %c0_i32_1 = arith.constant 0 : i32
    return %c0_i32, %c0_i32_0 : i32, i32
  }
  func.func @transform_15(%arg0: i32) -> (i32, i32) {
    %c0_i32 = arith.constant 0 : i32
    %c0_i32_0 = arith.constant 0 : i32
    %c0_i32_1 = arith.constant 0 : i32
    return %c0_i32, %c0_i32_0 : i32, i32
  }
  func.func @transform_16(%arg0: i32) -> (i32, i32) {
    %c0_i32 = arith.constant 0 : i32
    %c0_i32_0 = arith.constant 0 : i32
    return %arg0, %c0_i32 : i32, i32
  }
}

</mosaic_0001>

<sc_bundles>
// kernel: kernel.6.cloned.1.call-start
scs
__scs_entry_jumppad:
0x0: {  	(pc) =	sbr.rel $0x88, $3  }
0x1: {  	(tag) =	ssettag $0x0;
	lr =	simm.s32 $0x1  }
0x2: {  	[smem:$0x3F8C] =	sst lr;
	_ =	strace $0xD0000000  }
0x3: {  	_ = 	snop  }
0x4: {  	_ = 	snop  }
0x5: {  	_ = 	snop  }
0x6: {  	_ = 	snop  }
0x7: {  	_ = 	snop  }
__scs_overlays_trampoline_lowered:
0x8: {  	[smem:$0x3F9B] =	sst s0  }
0x9: {  	[smem:$0x3F9C] =	sst s1  }
0xa: {  	[smem:$0x3F9D] =	sst s2  }
0xb: {  	[smem:$0x3F9E] =	sst s3  }
0xc: {  	[smem:$0x3F9F] =	sst s4  }
0xd: {  	[smem:$0x3FA0] =	sst s5  }
0xe: {  	[smem:$0x3FA1] =	sst s6  }
0xf: {  	[smem:$0x3FA2] =	sst s7  }
0x10: {  	[smem:$0x3FA3] =	sst s8  }
0x11: {  	[smem:$0x3FA4] =	sst s9;
	s0 =	simm.s32 @!p0 $0x0  }
0x12: {  	s1 =	sld [smem:$0x3F8A];
	s0 =	simm.s32 @p0 $0x1  }
0x13: {  	[smem:$0x3FA5] =	sst s0;
	s0 =	simm.s32 @!p1 $0x0  }
0x14: {  	s2 =	sld [smem:$0x3F89];
	s0 =	simm.s32 @p1 $0x1  }
0x15: {  	[smem:$0x3FA6] =	sst s0;
	s0 =	simm.s32 @!p2 $0x0  }
0x16: {  	s3 =	sld [smem:$0x3FDB];
	s0 =	simm.s32 @p2 $0x1  }
0x17: {  	s4 =	simm.s32 $0x1BF5;
	[smem:$0x3FA8] =	sst s0  }
0x18: {  	s0 =	sld [smem:$0x3F8B];
	_ =	swait.ge [sflag:s4], $0x0  }
0x19: {  	s7 =	sld [smem:$0x3F8C]  }
0x1a: {  	s8 =	sadd.s32 $0xFFFFE003, lr  }
0x1b: {  	s9 =	sadd.s32 $0xFFFFFEF7, lr;
	s5 =	simm.s32 $0xFFFFFFFF;
	p2 =	slt.u32 s8, $0xFFFFF086  }
0x1c: {  	p1 =	slt.u32 s9, $0xF7A;
	s5 =	simm.s32 @!p2 $0x0  }
0x1d: {  	s5 =	simm.s32 @p1 $0x1;
	p0 =	seq.s32 s7, s2  }
0x1e: {  	s7 =	smul.u32 @!p0 $0xF7A, s2;
	p2 =	seq.s32 @!p0 s5, $0x0  }
0x1f: {  	s9 =	smul.u32 $0xF7A, s1;
	s8 =	simm.s32 @!p0 $0x1BF5;
	p2 =	por !p2, p0  }
0x20: {  	[sflag:s8] =	ssyncset.s32 @!p0 $0xFFFFF086;
	s6 =	sadd.s32 @!p0 s3, s7;
	s7 =	simm.s32 @!p0 $0x108  }
0x21: {  	s3 =	sadd.s32 s3, s9;
	s6 =	sadd.s32 @!p0 $0x88, s6;
	s7 =	simm.s32 @p2 $0x1082  }
0x22: {  	[simem:s7], [sflag:s8] =	dma.local @!p0 [hbm:s6], $0xF7A  }
0x23: {  	s9 =	sor.u32 $0xD0000000, s2;
	s6 =	simm.s32 $0x108;
	_ =	swait.ge @!p0 [sflag:s8], $0x0  }
0x24: {  	s3 =	sadd.s32 $0x88, s3;
	s6 =	simm.s32 @!p1 $0x1082;
	[sflag:s4] =	ssyncset.s32 $0xFFFFF086  }
0x25: {  	[simem:s6], [sflag:s4] =	dma.local [hbm:s3], $0xF7A  }
0x26: {  	[smem:$0x3F8C] =	sst s1;
	(tag) =	ssettag s2;
	_ =	strace s9  }
0x27: {  	s1 =	sld [smem:$0x3F9C]  }
0x28: {  	s2 =	sld [smem:$0x3F9D]  }
0x29: {  	s4 =	sld [smem:$0x3F9F]  }
0x2a: {  	p0 =	seq.s32 s5, $0x0;
	s5 =	sld [smem:$0x3FA0]  }
0x2b: {  	s6 =	sld [smem:$0x3FA1]  }
0x2c: {  	s7 =	sld [smem:$0x3FA2]  }
0x2d: {  	s3 =	simm.s32 $0x108;
	s8 =	sld [smem:$0x3FA3]  }
0x2e: {  	s3 =	simm.s32 @!p0 $0x1082;
	s9 =	sld [smem:$0x3FA4]  }
0x2f: {  	lr =	sadd.s32 s0, s3;
	s0 =	sld [smem:$0x3F9B]  }
0x30: {  	s3 =	sld [smem:$0x3F9E]  }
0x31: {  	[smem:$0x3FA7] =	sst s10  }
0x32: {  	s10 =	sld [smem:$0x3FA5];
	_ =	sdelay $0x3  }
0x33: {  	p0 =	seq.s32 s10, $0x1;
	s10 =	sld [smem:$0x3FA7];
	_ =	sdelay $0x3  }
0x34: {  	[smem:$0x3FA7] =	sst s10  }
0x35: {  	s10 =	sld [smem:$0x3FA6];
	_ =	sdelay $0x3  }
0x36: {  	p1 =	seq.s32 s10, $0x1;
	s10 =	sld [smem:$0x3FA7];
	_ =	sdelay $0x3  }
0x37: {  	[smem:$0x3FA7] =	sst s10  }
0x38: {  	s10 =	sld [smem:$0x3FA8]  }
0x39: {  	_ = 	snop;
	(pc) =	sbr.ind lr, $3  }
0x3a: {  	_ = 	snop  }
0x3b: {  	_ = 	snop  }
0x3c: {  	p2 =	seq.s32 s10, $0x1;
	s10 =	sld [smem:$0x3FA7]  }
0x3d: {  	_ =	shalt  }
0x3e: {  	_ =	shalt  }
0x3f: {  	_ =	shalt  }
0x40: {  	_ =	shalt  }
0x41: {  	_ =	shalt  }
0x42: {  	_ =	shalt  }
0x43: {  	_ =	shalt  }
0x44: {  	_ =	shalt  }
0x45: {  	_ =	shalt  }
0x46: {  	_ =	shalt  }
0x47: {  	_ =	shalt  }
0x48: {  	_ =	shalt  }
0x49: {  	_ =	shalt  }
0x4a: {  	_ =	shalt  }
0x4b: {  	_ =	shalt  }
0x4c: {  	_ =	shalt  }
0x4d: {  	_ =	shalt  }
0x4e: {  	_ =	shalt  }
0x4f: {  	_ =	shalt  }
0x50: {  	_ =	shalt  }
0x51: {  	_ =	shalt  }
0x52: {  	_ =	shalt  }
0x53: {  	_ =	shalt  }
0x54: {  	_ =	shalt  }
0x55: {  	_ =	shalt  }
0x56: {  	_ =	shalt  }
0x57: {  	_ =	shalt  }
0x58: {  	_ =	shalt  }
0x59: {  	_ =	shalt  }
0x5a: {  	_ =	shalt  }
0x5b: {  	_ =	shalt  }
0x5c: {  	_ =	shalt  }
0x5d: {  	_ =	shalt  }
0x5e: {  	_ =	shalt  }
0x5f: {  	_ =	shalt  }
0x60: {  	_ =	shalt  }
0x61: {  	_ =	shalt  }
0x62: {  	_ =	shalt  }
0x63: {  	_ =	shalt  }
0x64: {  	_ =	shalt  }
0x65: {  	_ =	shalt  }
0x66: {  	_ =	shalt  }
0x67: {  	_ =	shalt  }
0x68: {  	_ =	shalt  }
0x69: {  	_ =	shalt  }
0x6a: {  	_ =	shalt  }
0x6b: {  	_ =	shalt  }
0x6c: {  	_ =	shalt  }
0x6d: {  	_ =	shalt  }
0x6e: {  	_ =	shalt  }
0x6f: {  	_ =	shalt  }
0x70: {  	_ =	shalt  }
0x71: {  	_ =	shalt  }
0x72: {  	_ =	shalt  }
0x73: {  	_ =	shalt  }
0x74: {  	_ =	shalt  }
0x75: {  	_ =	shalt  }
0x76: {  	_ =	shalt  }
0x77: {  	_ =	shalt  }
0x78: {  	_ =	shalt  }
0x79: {  	_ =	shalt  }
0x7a: {  	_ =	shalt  }
0x7b: {  	_ =	shalt  }
0x7c: {  	_ =	shalt  }
0x7d: {  	_ =	shalt  }
0x7e: {  	_ =	shalt  }
0x7f: {  	_ =	shalt  }
0x80: {  	_ =	shalt  }
0x81: {  	_ =	shalt  }
0x82: {  	_ =	shalt  }
0x83: {  	_ =	shalt  }
0x84: {  	_ =	shalt  }
0x85: {  	_ =	shalt  }
0x86: {  	_ =	shalt  }
0x87: {  	_ =	shalt  }
.Lfunc_end0:
.L_simem_size_0:
called_computation_lowered:
.L_overlay_start_0:
0x88: {  	s2 =	sld [smem:$0x3FD9]  }
0x89: {  	s3 =	sld [smem:$0x3FFE];
	_ =	sdelay $0x1  }
0x8a: {  	s1 =	srdreg.scid  }
0x8b: {  	s0 =	sand.u32 $0x1, s1  }
0x8c: {  	s16 =	sshll.u32 s0, $0xA;
	s2 =	sadd.s32 s3, s2  }
0x8d: {  	s2 =	sadd.s32 s2, s16  }
0x8e: {  	[smem:$0x3FB3] =	sst s2  }
0x8f: {  	_ = 	snop  }
0x90: {  	(tm) =	ssettm $0x1  }
0x91: {  	s17 =	sld [smem:$0x3FFB];
	_ =	sdelay $0x3  }
0x92: {  	_ =	strace s17  }
0x93: {  	s2 =	sld [smem:$0x3FFC];
	_ =	sdelay $0x3  }
0x94: {  	_ =	strace s2  }
0x95: {  	s2 =	sld [smem:$0x3FFD];
	_ =	sdelay $0x3  }
0x96: {  	_ =	strace s2  }
0x97: {  	_ =	strace $0x8FFFFFFF  }
0x98: {  	s18 =	sld [smem:$0x3FDB];
	_ =	sdelay $0x1  }
0x99: {  	s19 =	simm.s32 $_scs_section_size  }
0x9a: {  	s4 =	simm.s32 $_size__tile_overlayer_lowered;
	s5 =	simm.s32 $_tile_overlayer_lowered  }
0x9b: {  	s22 =	simm.s32 $0x1BFF;
	s21 =	sshll.u32 s5, $0x1;
	s2 =	sadd.s32 s19, s18  }
0x9c: {  	s6 =	simm.s32 $0x0;
	s20 =	sshll.u32 s4, $0x1;
	s4 =	sadd.s32 s21, s2  }
0x9d: {  	[timem:s6], [sflag:s22] =	dma.local [hbm:s4], s20  }
0x9e: {  	_ =	swait.ge [sflag:s22], s20  }
0x9f: {  	s3 =	ssub.s32 $0x0, s20;
	[sflag:s22] =	ssyncset.done $0x0  }
0xa0: {  	[sflag:s22] =	ssyncadd.s32 s3;
	_ =	sdelay $0x1  }
0xa1: {  	s23 =	simm.s32 $0x1B8B  }
0xa2: {  	_ =	swait.ge [sflag:s23], $0x1  }
0xa3: {  	[sflag:s23] =	ssyncset.done $0x0  }
0xa4: {  	s25 =	simm.s32 $0x1B8E;
	s24 =	sld [smem:$0x3FFE];
	[sflag:s23] =	ssyncadd.s32 $0xFFFFFFFF  }
0xa5: {  	s26 =	simm.s32 $execute0_lowered;
	[smem:$0x3FD2] =	sst s25  }
0xa6: {  	s4 =	sshll.u32 s26, $0x1;
	_ =	strace $0x80000046;
	[dreg:$0x1] =	wrdreg $0xFFFFFFFF  }
0xa7: {  	s28 =	simm.s32 $_size_execute0_lowered;
	s2 =	sadd.s32 s2, s4;
	[dreg:$0x0] =	wrdreg $0x0  }
0xa8: {  	s4 =	sshll.u32 s28, $0x1;
	[dreg:$0x2] =	wrdreg s2  }
0xa9: {  	[dreg:$0x3] =	wrdreg s4  }
0xaa: {  	[dreg:$0x4] =	wrdreg $0xC0  }
0xab: {  	_ =	task [dreg:s6], $0x5FFFF  }
0xac: {  	[dreg:$0x1] =	wrdreg $0xFFFFFFFF  }
0xad: {  	[dreg:$0x0] =	wrdreg $0x60  }
0xae: {  	[dreg:$0x2] =	wrdreg s24  }
0xaf: {  	[dreg:$0x3] =	wrdreg $0x9  }
0xb0: {  	_ =	task.clear_ibuf [dreg:s6], $0x4FFFF;
	_ =	strace $0x90000046  }
0xb1: {  	s29 =	simm.s32 $0x9;
	_ =	strace $0x80000048  }
0xb2: {  	_ =	swait.ge [sflag:s29], $0x1  }
0xb3: {  	[sflag:s29] =	ssyncadd.s32 $0xFFFFFFFF  }
0xb4: {  	_ =	strace $0x90000048  }
0xb5: {  	_ =	sfence  }
0xb6: {  	s30 =	sld [smem:$0x0];
	_ =	sdelay $0x2  }
0xb7: {  	s31 =	sshll.u32 s1, $0xD;
	s1 =	sshrl.u32 s1, $0x2  }
0xb8: {  	s3 =	sand.u32 $0x4000, s31;
	s1 =	sadd.s32 s1, s30  }
0xb9: {  	s0 =	sor.u32 s3, s0;
	s1 =	sshll.u32 s1, $0x11  }
0xba: {  	s0 =	sor.u32 s1, s0  }
0xbb: {  	s0 =	sadd.s32 $0x8F2B, s0  }
0xbc: {  	[sflag:s0] =	ssyncadd.remote.s32 $0x1  }
0xbd: {  	_ =	sfence.sel $0xFFFF  }
0xbe: {  	[dreg:$0x0] =	wrdreg $0xFFFFFFFF;
	(pc) =	sbr.abs _section_cstart, $3  }
0xbf: {  	[dreg:$0x1] =	wrdreg $0xFFFFFFFF  }
0xc0: {  	_ =	task.clear_ibuf [dreg:s6], $0x2FFFF;
	_ =	strace $0x9FFFFFFF  }
0xc1: {  	(tm) =	ssettm $0x7FFFFFFF  }
tec
execute0_lowered:
.L_overlay_start_1:
0x0: {  	(tag) =	ssettag $0x1  }
0x1: {  	s1 =	srdreg.scid  }
0x2: {  	s0 =	stileid.u32;
	s4 =	rddreg [dreg:$0x0];
	s2 =	simm.s32 $0x0  }
0x3: {  	s11 =	simm.s32 $0x1;
	s12 =	simm.s32 $0x4D00;
	s13 =	simm.s32 $0x0  }
0x4: {  	s3 =	sand.u32 $0x1, s1;
	s29 =	sshll.u32 s0, $0x1;
	s1 =	rddreg [dreg:$0x1]  }
0x5: {  	[smem:$0x7FF] =	sst s2;
	s7 =	smul.u32 $0xD0000, s0;
	s10 =	sadd.s32 $0x27C1C00, s4  }
0x6: {  	s5 =	sor.u32 s3, s29;
	s8 =	ssub.s32 $0x2, s3;
	s9 =	smul.u32 $0x68000, s3  }
0x7: {  	_ =	strace $0x80000047;
	s6 =	smul.u32 $0x1A0, s5;
	s30 =	sshrl.u32 s8, $0x1  }
0x8: {  	s3 =	sadd.s32 $0x15800, s4;
	s5 =	smul.u32 $0x68000, s5;
	s8 =	ssub.s32 s8, s30  }
0x9: {  	s7 =	sadd.s32 s9, s7;
	s9 =	simm.s32 $0xD00;
	s6 =	sadd.s32 s6, s4  }
0xa: {  	s5 =	sshrl.u32 s5, $0x3;
	s7 =	sshrl.u32 s7, $0x3;
	s4 =	sadd.s32 $0x12400, s6  }
0xb: {  	s31 =	sadd.s32 s10, s5;
	s5 =	smax.u32 s8, $0x1;
	s7 =	sadd.s32 s7, s10  }
0xc: {  	s8 =	simm.s32 $0x2;
	s10 =	simm.s32 $0x80;
	s6 =	sadd.s32 $0xC800, s31  }
.LBB2_1:
0xd: {  	[tilespmem:s2], [sflag:$0x2] =	stream.linear.gather [hbm4b:s4+s2], $0xD00, $0x38;
	[tilespmem:$0x8D00] =	vst v63  }
0xe: {  	_ =	swait.ge [sflag:s8], $0xD00  }
0xf: {  	s14 =	simm.s32 $0x0;
	[sflag:s8] =	ssyncset.done $0x0  }
0x10: {  	s14 =	sand.u32 $0x4000, s14;
	[sflag:s8] =	ssyncadd.s32 $0xFFFFF300  }
0x11: {  	[tilespmem:s9], [sflag:$0x1] =	stream.indirect.gather [hbm4b:s3+s10], $0x80, s2, s10, $0xb8;
	[tilespmem:$0x8D00] =	vst v63  }
0x12: {  	s15 =	sxor.u32 $0x4D00, s14  }
0x13: {  	[tilespmem:s15], [sflag:$0x1] =	stream.indirect.gather [hbm4b:s3+s10], $0x80, s10, s10, $0xb8;
	[tilespmem:$0x8D00] =	vst v63  }
0x14: {  	_ =	swait.ge [sflag:s11], $0x4000  }
0x15: {  	[sflag:s11] =	ssyncset.done $0x0  }
0x16: {  	s31 =	simm.s32 $0x4000;
	s14 =	sor.u32 $0xD00, s14;
	[sflag:s11] =	ssyncadd.s32 $0xFFFFC000  }
0x17: {  	[hbm4b:s7+s2] =	stream.linear.scatter [tilespmem:s14], [sflag:$0x2], $0x4000, $0x38;
	[tilespmem:$0x8D00] =	vst v63  }
0x18: {  	s17 =	simm.s32 $0x2;
	s16 =	sand.u32 $0x4000, s31;
	_ =	swait.ge [sflag:s8], $0x4000  }
0x19: {  	s15 =	simm.s32 $0x100;
	s14 =	sadd.s32 $0x800, s7;
	[sflag:s8] =	ssyncset.done $0x0  }
.LBB2_2:
0x1a: {  	s18 =	sxor.u32 $0x4D00, s16  }
0x1b: {  	[sflag:s8] =	ssyncadd.s32 $0xFFFFC000;
	s19 =	smov.u32 s17;
	s20 =	sadd.s32 $0x1, s17  }
0x1c: {  	[tilespmem:s18], [sflag:$0x1] =	stream.indirect.gather [hbm4b:s3+s10], $0x80, s15, s10, $0xb8;
	[tilespmem:$0x8D00] =	vst v63  }
0x1d: {  	p0 =	sne.s32 s17, $0x18;
	_ =	swait.ge [sflag:s11], $0x4000  }
.Ltmp0:
0x1e: {  	[sflag:s11] =	ssyncset.done $0x0;
	(pc) =	sbr.rel @p0 .LBB2_2-.Ltmp0, $4  }
0x1f: {  	s16 =	sor.u32 $0xD00, s16;
	s15 =	sadd.s32 $0x80, s15;
	[sflag:s11] =	ssyncadd.s32 $0xFFFFC000  }
0x20: {  	[hbm4b:s14+s2] =	stream.linear.scatter [tilespmem:s16], [sflag:$0x2], $0x4000, $0x38;
	[tilespmem:$0x8D00] =	vst v63  }
0x21: {  	s17 =	smov.u32 s20;
	s16 =	sshll.u32 s19, $0xE;
	_ =	swait.ge [sflag:s8], $0x4000  }
0x22: {  	s14 =	sadd.s32 $0x800, s14;
	s16 =	sand.u32 $0x4000, s16;
	[sflag:s8] =	ssyncset.done $0x0  }
0x23: {  	s17 =	sxor.u32 $0x4D00, s16;
	[sflag:s8] =	ssyncadd.s32 $0xFFFFC000  }
0x24: {  	[tilespmem:s17], [sflag:$0x1] =	stream.indirect.gather [hbm4b:s3+s10], $0x80, s15, s10, $0xb8;
	[tilespmem:$0x8D00] =	vst v63  }
0x25: {  	_ =	swait.ge [sflag:s11], $0x4000  }
0x26: {  	[sflag:s11] =	ssyncset.done $0x0  }
0x27: {  	s31 =	sor.u32 $0xD00, s16;
	[sflag:s11] =	ssyncadd.s32 $0xFFFFC000  }
0x28: {  	[hbm4b:s14+s2] =	stream.linear.scatter [tilespmem:s31], [sflag:$0x2], $0x4000, $0x38;
	[tilespmem:$0x8D00] =	vst v63  }
0x29: {  	_ =	swait.ge [sflag:s8], $0x4000  }
0x2a: {  	[sflag:s8] =	ssyncset.done $0x0  }
0x2b: {  	[sflag:s8] =	ssyncadd.s32 $0xFFFFC000  }
0x2c: {  	s13 =	sadd.s32 $0x1, s13;
	_ =	swait.ge [sflag:s11], $0x4000  }
0x2d: {  	p0 =	sne.s32 s13, s5;
	[sflag:s11] =	ssyncset.done $0x0  }
.Ltmp1:
0x2e: {  	[sflag:s11] =	ssyncadd.s32 $0xFFFFC000;
	(pc) =	sbr.rel @p0 .LBB2_1-.Ltmp1, $4  }
0x2f: {  	[hbm4b:s6+s2] =	stream.linear.scatter [tilespmem:s12], [sflag:$0x2], $0x4000, $0x38;
	[tilespmem:$0x8D00] =	vst v63  }
0x30: {  	_ =	swait.ge [sflag:s8], $0x4000  }
0x31: {  	[sflag:s8] =	ssyncset.done $0x0  }
0x32: {  	[sflag:s8] =	ssyncadd.s32 $0xFFFFC000  }
0x33: {  	_ =	sfence.sel $0x180000  }
0x34: {  	[bflag:$0x0] =	sbarrier.arrive $0xFFFF  }
0x35: {  	p0 =	sne.s32 s0, $0x0;
	_ =	strace $0x90000047  }
0x36: {  	s0 =	sadd.s32 @!p0 $0x100000, s1;
	[bflag:$0x2] =	sbarrier.arrive $0xFFFF  }
0x37: {  	[sflag:s0] =	ssyncadd.tile.s32 @!p0 $0x1;
	_ =	shalt  }
.Lfunc_end2:
_tile_overlayer_lowered:
.L_overlay_start_2:
0x38: {  	(tag) =	ssettag $0x2  }
0x39: {  	s0 =	rddreg [dreg:$0x0];
	s2 =	stileid.u32  }
0x3a: {  	s1 =	rddreg [dreg:$0x1];
	p0 =	sne.s32 s2, $0x0  }
0x3b: {  	s3 =	rddreg [dreg:$0x2];
	[bflag:$0x3] =	sbarrier.arrive $0xFFFF;
	s2 =	simm.s32 @!p0 $0x1C02  }
0x3c: {  	[timem:s3], [sflag:s2] =	dma.local @!p0 [hbm:s0], s1  }
0x3d: {  	s0 =	simm.s32 @!p0 $0x2  }
0x3e: {  	_ =	swait.ge @!p0 [sflag:s0], s1  }
0x3f: {  	s1 =	ssub.s32 @!p0 $0x0, s1;
	[sflag:s0] =	ssyncset.done @!p0 $0x0  }
0x40: {  	[sflag:s0] =	ssyncadd.s32 @!p0 s1  }
0x41: {  	[bflag:$0x3] =	sbarrier.arrive $0xFFFF  }
0x42: {  	_ =	shalt  }

// kernel: kernel.9.cloned.1.call-start
scs
__scs_entry_jumppad:
0x0: {  	(pc) =	sbr.rel $0x88, $3  }
0x1: {  	(tag) =	ssettag $0x0;
	lr =	simm.s32 $0x1  }
0x2: {  	[smem:$0x3F8C] =	sst lr;
	_ =	strace $0xD0000000  }
0x3: {  	_ = 	snop  }
0x4: {  	_ = 	snop  }
0x5: {  	_ = 	snop  }
0x6: {  	_ = 	snop  }
0x7: {  	_ = 	snop  }
__scs_overlays_trampoline_lowered:
0x8: {  	[smem:$0x3F9B] =	sst s0  }
0x9: {  	[smem:$0x3F9C] =	sst s1  }
0xa: {  	[smem:$0x3F9D] =	sst s2  }
0xb: {  	[smem:$0x3F9E] =	sst s3  }
0xc: {  	[smem:$0x3F9F] =	sst s4  }
0xd: {  	[smem:$0x3FA0] =	sst s5  }
0xe: {  	[smem:$0x3FA1] =	sst s6  }
0xf: {  	[smem:$0x3FA2] =	sst s7  }
0x10: {  	[smem:$0x3FA3] =	sst s8  }
0x11: {  	[smem:$0x3FA4] =	sst s9;
	s0 =	simm.s32 @!p0 $0x0  }
0x12: {  	s1 =	sld [smem:$0x3F8A];
	s0 =	simm.s32 @p0 $0x1  }
0x13: {  	[smem:$0x3FA5] =	sst s0;
	s0 =	simm.s32 @!p1 $0x0  }
0x14: {  	s2 =	sld [smem:$0x3F89];
	s0 =	simm.s32 @p1 $0x1  }
0x15: {  	[smem:$0x3FA6] =	sst s0;
	s0 =	simm.s32 @!p2 $0x0  }
0x16: {  	s3 =	sld [smem:$0x3FDB];
	s0 =	simm.s32 @p2 $0x1  }
0x17: {  	s4 =	simm.s32 $0x1BF5;
	[smem:$0x3FA8] =	sst s0  }
0x18: {  	s0 =	sld [smem:$0x3F8B];
	_ =	swait.ge [sflag:s4], $0x0  }
0x19: {  	s7 =	sld [smem:$0x3F8C]  }
0x1a: {  	s8 =	sadd.s32 $0xFFFFE003, lr  }
0x1b: {  	s9 =	sadd.s32 $0xFFFFFEF7, lr;
	s5 =	simm.s32 $0xFFFFFFFF;
	p2 =	slt.u32 s8, $0xFFFFF086  }
0x1c: {  	p1 =	slt.u32 s9, $0xF7A;
	s5 =	simm.s32 @!p2 $0x0  }
0x1d: {  	s5 =	simm.s32 @p1 $0x1;
	p0 =	seq.s32 s7, s2  }
0x1e: {  	s7 =	smul.u32 @!p0 $0xF7A, s2;
	p2 =	seq.s32 @!p0 s5, $0x0  }
0x1f: {  	s9 =	smul.u32 $0xF7A, s1;
	s8 =	simm.s32 @!p0 $0x1BF5;
	p2 =	por !p2, p0  }
0x20: {  	[sflag:s8] =	ssyncset.s32 @!p0 $0xFFFFF086;
	s6 =	sadd.s32 @!p0 s3, s7;
	s7 =	simm.s32 @!p0 $0x108  }
0x21: {  	s3 =	sadd.s32 s3, s9;
	s6 =	sadd.s32 @!p0 $0x88, s6;
	s7 =	simm.s32 @p2 $0x1082  }
0x22: {  	[simem:s7], [sflag:s8] =	dma.local @!p0 [hbm:s6], $0xF7A  }
0x23: {  	s9 =	sor.u32 $0xD0000000, s2;
	s6 =	simm.s32 $0x108;
	_ =	swait.ge @!p0 [sflag:s8], $0x0  }
0x24: {  	s3 =	sadd.s32 $0x88, s3;
	s6 =	simm.s32 @!p1 $0x1082;
	[sflag:s4] =	ssyncset.s32 $0xFFFFF086  }
0x25: {  	[simem:s6], [sflag:s4] =	dma.local [hbm:s3], $0xF7A  }
0x26: {  	[smem:$0x3F8C] =	sst s1;
	(tag) =	ssettag s2;
	_ =	strace s9  }
0x27: {  	s1 =	sld [smem:$0x3F9C]  }
0x28: {  	s2 =	sld [smem:$0x3F9D]  }
0x29: {  	s4 =	sld [smem:$0x3F9F]  }
0x2a: {  	p0 =	seq.s32 s5, $0x0;
	s5 =	sld [smem:$0x3FA0]  }
0x2b: {  	s6 =	sld [smem:$0x3FA1]  }
0x2c: {  	s7 =	sld [smem:$0x3FA2]  }
0x2d: {  	s3 =	simm.s32 $0x108;
	s8 =	sld [smem:$0x3FA3]  }
0x2e: {  	s3 =	simm.s32 @!p0 $0x1082;
	s9 =	sld [smem:$0x3FA4]  }
0x2f: {  	lr =	sadd.s32 s0, s3;
	s0 =	sld [smem:$0x3F9B]  }
0x30: {  	s3 =	sld [smem:$0x3F9E]  }
0x31: {  	[smem:$0x3FA7] =	sst s10  }
0x32: {  	s10 =	sld [smem:$0x3FA5];
	_ =	sdelay $0x3  }
0x33: {  	p0 =	seq.s32 s10, $0x1;
	s10 =	sld [smem:$0x3FA7];
	_ =	sdelay $0x3  }
0x34: {  	[smem:$0x3FA7] =	sst s10  }
0x35: {  	s10 =	sld [smem:$0x3FA6];
	_ =	sdelay $0x3  }
0x36: {  	p1 =	seq.s32 s10, $0x1;
	s10 =	sld [smem:$0x3FA7];
	_ =	sdelay $0x3  }
0x37: {  	[smem:$0x3FA7] =	sst s10  }
0x38: {  	s10 =	sld [smem:$0x3FA8]  }
0x39: {  	_ = 	snop;
	(pc) =	sbr.ind lr, $3  }
0x3a: {  	_ = 	snop  }
0x3b: {  	_ = 	snop  }
0x3c: {  	p2 =	seq.s32 s10, $0x1;
	s10 =	sld [smem:$0x3FA7]  }
0x3d: {  	_ =	shalt  }
0x3e: {  	_ =	shalt  }
0x3f: {  	_ =	shalt  }
0x40: {  	_ =	shalt  }
0x41: {  	_ =	shalt  }
0x42: {  	_ =	shalt  }
0x43: {  	_ =	shalt  }
0x44: {  	_ =	shalt  }
0x45: {  	_ =	shalt  }
0x46: {  	_ =	shalt  }
0x47: {  	_ =	shalt  }
0x48: {  	_ =	shalt  }
0x49: {  	_ =	shalt  }
0x4a: {  	_ =	shalt  }
0x4b: {  	_ =	shalt  }
0x4c: {  	_ =	shalt  }
0x4d: {  	_ =	shalt  }
0x4e: {  	_ =	shalt  }
0x4f: {  	_ =	shalt  }
0x50: {  	_ =	shalt  }
0x51: {  	_ =	shalt  }
0x52: {  	_ =	shalt  }
0x53: {  	_ =	shalt  }
0x54: {  	_ =	shalt  }
0x55: {  	_ =	shalt  }
0x56: {  	_ =	shalt  }
0x57: {  	_ =	shalt  }
0x58: {  	_ =	shalt  }
0x59: {  	_ =	shalt  }
0x5a: {  	_ =	shalt  }
0x5b: {  	_ =	shalt  }
0x5c: {  	_ =	shalt  }
0x5d: {  	_ =	shalt  }
0x5e: {  	_ =	shalt  }
0x5f: {  	_ =	shalt  }
0x60: {  	_ =	shalt  }
0x61: {  	_ =	shalt  }
0x62: {  	_ =	shalt  }
0x63: {  	_ =	shalt  }
0x64: {  	_ =	shalt  }
0x65: {  	_ =	shalt  }
0x66: {  	_ =	shalt  }
0x67: {  	_ =	shalt  }
0x68: {  	_ =	shalt  }
0x69: {  	_ =	shalt  }
0x6a: {  	_ =	shalt  }
0x6b: {  	_ =	shalt  }
0x6c: {  	_ =	shalt  }
0x6d: {  	_ =	shalt  }
0x6e: {  	_ =	shalt  }
0x6f: {  	_ =	shalt  }
0x70: {  	_ =	shalt  }
0x71: {  	_ =	shalt  }
0x72: {  	_ =	shalt  }
0x73: {  	_ =	shalt  }
0x74: {  	_ =	shalt  }
0x75: {  	_ =	shalt  }
0x76: {  	_ =	shalt  }
0x77: {  	_ =	shalt  }
0x78: {  	_ =	shalt  }
0x79: {  	_ =	shalt  }
0x7a: {  	_ =	shalt  }
0x7b: {  	_ =	shalt  }
0x7c: {  	_ =	shalt  }
0x7d: {  	_ =	shalt  }
0x7e: {  	_ =	shalt  }
0x7f: {  	_ =	shalt  }
0x80: {  	_ =	shalt  }
0x81: {  	_ =	shalt  }
0x82: {  	_ =	shalt  }
0x83: {  	_ =	shalt  }
0x84: {  	_ =	shalt  }
0x85: {  	_ =	shalt  }
0x86: {  	_ =	shalt  }
0x87: {  	_ =	shalt  }
.Lfunc_end0:
.L_simem_size_0:
called_computation.1_lowered:
.L_overlay_start_0:
0x88: {  	s2 =	sld [smem:$0x3FD9]  }
0x89: {  	s3 =	sld [smem:$0x3FFE];
	_ =	sdelay $0x1  }
0x8a: {  	s1 =	srdreg.scid  }
0x8b: {  	s0 =	sand.u32 $0x1, s1  }
0x8c: {  	s17 =	sshll.u32 s0, $0xA;
	s2 =	sadd.s32 s3, s2  }
0x8d: {  	s2 =	sadd.s32 s2, s17  }
0x8e: {  	[smem:$0x3FB3] =	sst s2  }
0x8f: {  	_ = 	snop  }
0x90: {  	(tm) =	ssettm $0x1  }
0x91: {  	s18 =	sld [smem:$0x3FFB];
	_ =	sdelay $0x3  }
0x92: {  	_ =	strace s18  }
0x93: {  	s2 =	sld [smem:$0x3FFC];
	_ =	sdelay $0x3  }
0x94: {  	_ =	strace s2  }
0x95: {  	s2 =	sld [smem:$0x3FFD];
	_ =	sdelay $0x3  }
0x96: {  	_ =	strace s2  }
0x97: {  	_ =	strace $0x8FFFFFFF  }
0x98: {  	s19 =	sld [smem:$0x3FDB];
	_ =	sdelay $0x1  }
0x99: {  	s20 =	simm.s32 $_scs_section_size  }
0x9a: {  	s4 =	simm.s32 $_size__tile_overlayer_lowered;
	s5 =	simm.s32 $_tile_overlayer_lowered  }
0x9b: {  	s6 =	simm.s32 $0x1BFF;
	s21 =	sshll.u32 s5, $0x1;
	s3 =	sadd.s32 s20, s19  }
0x9c: {  	s22 =	simm.s32 $0x0;
	s4 =	sshll.u32 s4, $0x1;
	s5 =	sadd.s32 s21, s3  }
0x9d: {  	[timem:s22], [sflag:s6] =	dma.local [hbm:s5], s4  }
0x9e: {  	_ =	swait.ge [sflag:s6], s4  }
0x9f: {  	s4 =	ssub.s32 $0x0, s4;
	[sflag:s6] =	ssyncset.done $0x0  }
0xa0: {  	[sflag:s6] =	ssyncadd.s32 s4;
	_ =	sdelay $0x1  }
0xa1: {  	s23 =	simm.s32 $0x1B8B  }
0xa2: {  	_ =	swait.ge [sflag:s23], $0x1  }
0xa3: {  	[sflag:s23] =	ssyncset.done $0x0  }
0xa4: {  	[sflag:s23] =	ssyncadd.s32 $0xFFFFFFFF  }
0xa5: {  	s4 =	sld [smem:$0x0]  }
0xa6: {  	s5 =	sand.u32 $0xFFFFFFFE, s1  }
0xa7: {  	p0 =	sne.s32 s1, s5  }
0xa8: {  	s5 =	sshll.u32 @p0 s5, $0xE  }
0xa9: {  	s5 =	sadd.s32 @p0 $0x11B8D, s5;
	s6 =	sshll.u32 @p0 s4, $0x11  }
0xaa: {  	s5 =	sor.u32 @p0 s6, s5  }
0xab: {  	[sflag:s5] =	ssyncadd.remote.s32 @p0 $0x1;
	_ =	sdelay $0x1  }
0xac: {  	s5 =	simm.s32 @p0 $0x1B8D  }
0xad: {  	_ =	swait.eq @p0 [sflag:s5], $0x1  }
0xae: {  	[sflag:s5] =	ssyncadd.s32 @p0 $0xFFFFFFFF  }
0xaf: {  	s6 =	sshll.u32 @!p0 s1, $0xE  }
0xb0: {  	s6 =	sor.u32 @!p0 $0x4000, s6;
	s5 =	simm.s32 @!p0 $0x1B8D  }
0xb1: {  	s4 =	sshll.u32 @!p0 s4, $0x11;
	s6 =	sadd.s32 @!p0 $0x11B8D, s6;
	_ =	swait.eq @!p0 [sflag:s5], $0x1  }
0xb2: {  	s4 =	sor.u32 @!p0 s4, s6;
	[sflag:s5] =	ssyncadd.s32 @!p0 $0xFFFFFFFF  }
0xb3: {  	s25 =	simm.s32 $0x1B8E;
	s24 =	sld [smem:$0x3FFE];
	[sflag:s4] =	ssyncadd.remote.s32 @!p0 $0x1  }
0xb4: {  	s26 =	simm.s32 $execute0_lowered;
	[smem:$0x3FD2] =	sst s25  }
0xb5: {  	s5 =	sshll.u32 s26, $0x1;
	_ =	strace $0x80000049;
	[dreg:$0x1] =	wrdreg $0xFFFFFFFF  }
0xb6: {  	s28 =	simm.s32 $_size_execute0_lowered;
	s3 =	sadd.s32 s3, s5;
	[dreg:$0x0] =	wrdreg $0x0  }
0xb7: {  	s5 =	sshll.u32 s28, $0x1;
	[dreg:$0x2] =	wrdreg s3  }
0xb8: {  	[dreg:$0x3] =	wrdreg s5  }
0xb9: {  	[dreg:$0x4] =	wrdreg $0xC0  }
0xba: {  	_ =	task [dreg:s22], $0x5FFFF  }
0xbb: {  	[dreg:$0x1] =	wrdreg $0xFFFFFFFF  }
0xbc: {  	[dreg:$0x0] =	wrdreg $0x60  }
0xbd: {  	[dreg:$0x2] =	wrdreg s24  }
0xbe: {  	[dreg:$0x3] =	wrdreg $0xA  }
0xbf: {  	_ =	task.clear_ibuf [dreg:s22], $0x4FFFF;
	_ =	strace $0x90000049  }
0xc0: {  	s29 =	simm.s32 $0xA;
	_ =	strace $0x8000004B  }
0xc1: {  	_ =	swait.ge [sflag:s29], $0x1  }
0xc2: {  	[sflag:s29] =	ssyncadd.s32 $0xFFFFFFFF  }
0xc3: {  	_ =	strace $0x9000004B  }
0xc4: {  	_ =	sfence  }
0xc5: {  	s30 =	sld [smem:$0x0];
	_ =	sdelay $0x2  }
0xc6: {  	s31 =	sshll.u32 s1, $0xD;
	s1 =	sshrl.u32 s1, $0x2  }
0xc7: {  	s4 =	sand.u32 $0x4000, s31;
	s1 =	sadd.s32 s1, s30  }
0xc8: {  	s0 =	sor.u32 s4, s0;
	s1 =	sshll.u32 s1, $0x11  }
0xc9: {  	s0 =	sor.u32 s1, s0  }
0xca: {  	s0 =	sadd.s32 $0x8F2B, s0  }
0xcb: {  	[sflag:s0] =	ssyncadd.remote.s32 $0x1  }
0xcc: {  	_ =	sfence.sel $0xFFFF  }
0xcd: {  	[dreg:$0x0] =	wrdreg $0xFFFFFFFF;
	(pc) =	sbr.abs _section_cstart, $3  }
0xce: {  	[dreg:$0x1] =	wrdreg $0xFFFFFFFF  }
0xcf: {  	_ =	task.clear_ibuf [dreg:s22], $0x2FFFF;
	_ =	strace $0x9FFFFFFF  }
0xd0: {  	(tm) =	ssettm $0x7FFFFFFF  }
0xd1: {  	_ =	shalt  }
tec
execute0_lowered:
.L_overlay_start_1:
0x0: {  	(tag) =	ssettag $0x1  }
0x1: {  	s0 =	srdreg.scid  }
0x2: {  	s2 =	stileid.u32;
	s1 =	sand.u32 $0x1, s0  }
0x3: {  	s20 =	sshll.u32 s2, $0x1;
	s0 =	rddreg [dreg:$0x0];
	s2 =	simm.s32 $0x0  }
0x4: {  	s21 =	simm.s32 $0x1500;
	[smem:$0x7FF] =	sst s2  }
0x5: {  	s22 =	simm.s32 $0x100;
	_ =	strace $0x8000004A;
	[dreg:$0x4] =	wrdreg s21  }
0x6: {  	s23 =	simm.s32 $0x1D00;
	[dreg:$0x5] =	wrdreg s22  }
0x7: {  	s24 =	simm.s32 $0x180;
	[dreg:$0x6] =	wrdreg s23  }
0x8: {  	s25 =	simm.s32 $0x2500;
	[dreg:$0x7] =	wrdreg s24  }
0x9: {  	s26 =	simm.s32 $0x200;
	[dreg:$0x8] =	wrdreg s25  }
0xa: {  	s5 =	simm.s32 $0x280;
	[dreg:$0x9] =	wrdreg s26  }
0xb: {  	s6 =	simm.s32 $0x3500;
	[dreg:$0xb] =	wrdreg s5  }
0xc: {  	s7 =	simm.s32 $0x300;
	[dreg:$0xc] =	wrdreg s6  }
0xd: {  	s8 =	simm.s32 $0x3D00;
	[dreg:$0xd] =	wrdreg s7  }
0xe: {  	s9 =	simm.s32 $0x380;
	[dreg:$0xe] =	wrdreg s8  }
0xf: {  	s10 =	simm.s32 $0x4500;
	[dreg:$0xf] =	wrdreg s9  }
0x10: {  	s11 =	simm.s32 $0x400;
	[dreg:$0x10] =	wrdreg s10  }
0x11: {  	s12 =	simm.s32 $0x4D00;
	[dreg:$0x11] =	wrdreg s11  }
0x12: {  	s13 =	simm.s32 $0x480;
	[dreg:$0x12] =	wrdreg s12  }
0x13: {  	s14 =	simm.s32 $0x5500;
	[dreg:$0x13] =	wrdreg s13  }
0x14: {  	s15 =	simm.s32 $0x500;
	[dreg:$0x14] =	wrdreg s14  }
0x15: {  	s16 =	simm.s32 $0x5D00;
	[dreg:$0x15] =	wrdreg s15  }
0x16: {  	s17 =	simm.s32 $0x580;
	[dreg:$0x16] =	wrdreg s16  }
0x17: {  	s18 =	simm.s32 $0x6500;
	[dreg:$0x17] =	wrdreg s17  }
0x18: {  	s19 =	simm.s32 $0x600;
	[dreg:$0x18] =	wrdreg s18  }
0x19: {  	s3 =	sor.u32 s1, s20;
	s20 =	simm.s32 $0x6D00;
	[dreg:$0x19] =	wrdreg s19  }
0x1a: {  	s4 =	smul.u32 $0x1A0, s3;
	[dreg:$0x1a] =	wrdreg s20;
	s21 =	simm.s32 $0x680  }
0x1b: {  	s3 =	smul.u32 $0x1A00, s3;
	s22 =	simm.s32 $0x7500;
	[dreg:$0x1b] =	wrdreg s21  }
0x1c: {  	s5 =	simm.s32 $0x700;
	[dreg:$0x1c] =	wrdreg s22;
	s4 =	sadd.s32 s4, s0  }
0x1d: {  	[dreg:$0x1d] =	wrdreg s5;
	s3 =	sadd.s32 s3, s0;
	s4 =	sadd.s32 $0x29B1200, s4  }
0x1e: {  	s3 =	sadd.s32 $0x29B4600, s3;
	[dreg:$0x2] =	wrdreg s4  }
0x1f: {  	[dreg:$0x3] =	wrdreg s3;
	s4 =	simm.s32 $0x2D00  }
0x20: {  	[dreg:$0xa] =	wrdreg s4  }
0x21: {  	s3 =	simm.s32 $0x2;
	s4 =	rddreg [dreg:$0x2]  }
0x22: {  	[tilespmem:s2], [sflag:$0x2] =	stream.linear.gather [hbm4b:s4+s2], $0xD00, $0x38;
	[tilespmem:$0xDD00] =	vst v63  }
0x23: {  	_ =	swait.ge [sflag:s3], $0xD00  }
0x24: {  	s7 =	rddreg [dreg:$0x1c]  }
0x25: {  	s8 =	rddreg [dreg:$0x1a]  }
0x26: {  	s9 =	rddreg [dreg:$0x18]  }
0x27: {  	s10 =	rddreg [dreg:$0x16]  }
0x28: {  	s11 =	rddreg [dreg:$0x14]  }
0x29: {  	s12 =	rddreg [dreg:$0x12]  }
0x2a: {  	s13 =	rddreg [dreg:$0x10]  }
0x2b: {  	s14 =	rddreg [dreg:$0xe]  }
0x2c: {  	s15 =	rddreg [dreg:$0xc]  }
0x2d: {  	s6 =	simm.s32 $0x80;
	s16 =	rddreg [dreg:$0xa]  }
0x2e: {  	s5 =	sadd.s32 $0x2961C00, s0;
	s23 =	rddreg [dreg:$0x5];
	[sflag:s3] =	ssyncset.done $0x0  }
0x2f: {  	s4 =	simm.s32 $0xD00;
	s17 =	rddreg [dreg:$0x4];
	[sflag:s3] =	ssyncadd.s32 $0xFFFFF300  }
0x30: {  	[tilespmem:s4], [sflag:$0x1] =	stream.indirect.gather [hbm4b:s5+s6], $0x10, s2, s6, $0xb8;
	[tilespmem:$0xDD00] =	vst v63  }
0x31: {  	s18 =	rddreg [dreg:$0x6]  }
0x32: {  	[tilespmem:s17], [sflag:$0x1] =	stream.indirect.gather [hbm4b:s5+s6], $0x10, s6, s6, $0xb8;
	[tilespmem:$0xDD00] =	vst v63  }
0x33: {  	s19 =	rddreg [dreg:$0x8]  }
0x34: {  	[tilespmem:s18], [sflag:$0x1] =	stream.indirect.gather [hbm4b:s5+s6], $0x10, s23, s6, $0xb8;
	[tilespmem:$0xDD00] =	vst v63  }
0x35: {  	s24 =	rddreg [dreg:$0x7]  }
0x36: {  	[tilespmem:s19], [sflag:$0x1] =	stream.indirect.gather [hbm4b:s5+s6], $0x10, s24, s6, $0xb8;
	[tilespmem:$0xDD00] =	vst v63  }
0x37: {  	s25 =	rddreg [dreg:$0x9]  }
0x38: {  	[tilespmem:s16], [sflag:$0x1] =	stream.indirect.gather [hbm4b:s5+s6], $0x10, s25, s6, $0xb8;
	[tilespmem:$0xDD00] =	vst v63  }
0x39: {  	s26 =	rddreg [dreg:$0xb]  }
0x3a: {  	[tilespmem:s15], [sflag:$0x1] =	stream.indirect.gather [hbm4b:s5+s6], $0x10, s26, s6, $0xb8;
	[tilespmem:$0xDD00] =	vst v63  }
0x3b: {  	s16 =	rddreg [dreg:$0xd]  }
0x3c: {  	[tilespmem:s14], [sflag:$0x1] =	stream.indirect.gather [hbm4b:s5+s6], $0x10, s16, s6, $0xb8;
	[tilespmem:$0xDD00] =	vst v63  }
0x3d: {  	s18 =	rddreg [dreg:$0xf]  }
0x3e: {  	[tilespmem:s13], [sflag:$0x1] =	stream.indirect.gather [hbm4b:s5+s6], $0x10, s18, s6, $0xb8;
	[tilespmem:$0xDD00] =	vst v63  }
0x3f: {  	s19 =	rddreg [dreg:$0x11]  }
0x40: {  	[tilespmem:s12], [sflag:$0x1] =	stream.indirect.gather [hbm4b:s5+s6], $0x10, s19, s6, $0xb8;
	[tilespmem:$0xDD00] =	vst v63  }
0x41: {  	s20 =	rddreg [dreg:$0x13]  }
0x42: {  	[tilespmem:s11], [sflag:$0x1] =	stream.indirect.gather [hbm4b:s5+s6], $0x10, s20, s6, $0xb8;
	[tilespmem:$0xDD00] =	vst v63  }
0x43: {  	s21 =	rddreg [dreg:$0x15]  }
0x44: {  	[tilespmem:s10], [sflag:$0x1] =	stream.indirect.gather [hbm4b:s5+s6], $0x10, s21, s6, $0xb8;
	[tilespmem:$0xDD00] =	vst v63  }
0x45: {  	s22 =	rddreg [dreg:$0x17]  }
0x46: {  	[tilespmem:s9], [sflag:$0x1] =	stream.indirect.gather [hbm4b:s5+s6], $0x10, s22, s6, $0xb8;
	[tilespmem:$0xDD00] =	vst v63  }
0x47: {  	s23 =	rddreg [dreg:$0x19]  }
0x48: {  	[tilespmem:s8], [sflag:$0x1] =	stream.indirect.gather [hbm4b:s5+s6], $0x10, s23, s6, $0xb8;
	[tilespmem:$0xDD00] =	vst v63  }
0x49: {  	s24 =	rddreg [dreg:$0x1b]  }
0x4a: {  	[tilespmem:s7], [sflag:$0x1] =	stream.indirect.gather [hbm4b:s5+s6], $0x10, s24, s6, $0xb8;
	[tilespmem:$0xDD00] =	vst v63  }
0x4b: {  	s25 =	rddreg [dreg:$0x1d];
	s26 =	simm.s32 $0x7D00  }
0x4c: {  	[tilespmem:s26], [sflag:$0x1] =	stream.indirect.gather [hbm4b:s5+s6], $0x10, s25, s6, $0xb8;
	[tilespmem:$0xDD00] =	vst v63  }
0x4d: {  	s8 =	simm.s32 $0x8500;
	s7 =	simm.s32 $0x780  }
0x4e: {  	[tilespmem:s8], [sflag:$0x1] =	stream.indirect.gather [hbm4b:s5+s6], $0x10, s7, s6, $0xb8;
	[tilespmem:$0xDD00] =	vst v63  }
0x4f: {  	s10 =	simm.s32 $0x8D00;
	s9 =	simm.s32 $0x800  }
0x50: {  	[tilespmem:s10], [sflag:$0x1] =	stream.indirect.gather [hbm4b:s5+s6], $0x10, s9, s6, $0xb8;
	[tilespmem:$0xDD00] =	vst v63  }
0x51: {  	s12 =	simm.s32 $0x9500;
	s11 =	simm.s32 $0x880  }
0x52: {  	[tilespmem:s12], [sflag:$0x1] =	stream.indirect.gather [hbm4b:s5+s6], $0x10, s11, s6, $0xb8;
	[tilespmem:$0xDD00] =	vst v63  }
0x53: {  	s14 =	simm.s32 $0x9D00;
	s13 =	simm.s32 $0x900  }
0x54: {  	[tilespmem:s14], [sflag:$0x1] =	stream.indirect.gather [hbm4b:s5+s6], $0x10, s13, s6, $0xb8;
	[tilespmem:$0xDD00] =	vst v63  }
0x55: {  	s15 =	simm.s32 $0x980;
	s16 =	simm.s32 $0xA500  }
0x56: {  	[tilespmem:s16], [sflag:$0x1] =	stream.indirect.gather [hbm4b:s5+s6], $0x10, s15, s6, $0xb8;
	[tilespmem:$0xDD00] =	vst v63  }
0x57: {  	s17 =	simm.s32 $0xA00;
	s18 =	simm.s32 $0xAD00  }
0x58: {  	[tilespmem:s18], [sflag:$0x1] =	stream.indirect.gather [hbm4b:s5+s6], $0x10, s17, s6, $0xb8;
	[tilespmem:$0xDD00] =	vst v63  }
0x59: {  	s20 =	simm.s32 $0xA80;
	s21 =	simm.s32 $0xB500  }
0x5a: {  	[tilespmem:s21], [sflag:$0x1] =	stream.indirect.gather [hbm4b:s5+s6], $0x10, s20, s6, $0xb8;
	[tilespmem:$0xDD00] =	vst v63  }
0x5b: {  	s22 =	simm.s32 $0xB00;
	s23 =	simm.s32 $0xBD00  }
0x5c: {  	[tilespmem:s23], [sflag:$0x1] =	stream.indirect.gather [hbm4b:s5+s6], $0x10, s22, s6, $0xb8;
	[tilespmem:$0xDD00] =	vst v63  }
0x5d: {  	s25 =	simm.s32 $0xB80;
	s26 =	simm.s32 $0xC500  }
0x5e: {  	[tilespmem:s26], [sflag:$0x1] =	stream.indirect.gather [hbm4b:s5+s6], $0x10, s25, s6, $0xb8;
	[tilespmem:$0xDD00] =	vst v63  }
0x5f: {  	s28 =	simm.s32 $0xC00;
	s29 =	simm.s32 $0xCD00  }
0x60: {  	[tilespmem:s29], [sflag:$0x1] =	stream.indirect.gather [hbm4b:s5+s6], $0x10, s28, s6, $0xb8;
	[tilespmem:$0xDD00] =	vst v63  }
0x61: {  	s30 =	simm.s32 $0xC80;
	s31 =	simm.s32 $0xD500;
	s24 =	simm.s32 $0x1  }
0x62: {  	[tilespmem:s31], [sflag:$0x1] =	stream.indirect.gather [hbm4b:s5+s6], $0x10, s30, s6, $0xb8;
	[tilespmem:$0xDD00] =	vst v63  }
0x63: {  	_ =	swait.ge [sflag:s24], $0x800  }
0x64: {  	[sflag:s24] =	ssyncset.done $0x0  }
0x65: {  	[sflag:s24] =	ssyncadd.s32 $0xFFFFF800  }
0x66: {  	_ =	swait.ge [sflag:s24], $0x800  }
0x67: {  	[sflag:s24] =	ssyncset.done $0x0  }
0x68: {  	[sflag:s24] =	ssyncadd.s32 $0xFFFFF800  }
0x69: {  	_ =	swait.ge [sflag:s24], $0x800  }
0x6a: {  	[sflag:s24] =	ssyncset.done $0x0  }
0x6b: {  	[sflag:s24] =	ssyncadd.s32 $0xFFFFF800  }
0x6c: {  	_ =	swait.ge [sflag:s24], $0x800  }
0x6d: {  	[sflag:s24] =	ssyncset.done $0x0  }
0x6e: {  	[sflag:s24] =	ssyncadd.s32 $0xFFFFF800  }
0x6f: {  	_ =	swait.ge [sflag:s24], $0x800  }
0x70: {  	[sflag:s24] =	ssyncset.done $0x0  }
0x71: {  	[sflag:s24] =	ssyncadd.s32 $0xFFFFF800  }
0x72: {  	_ =	swait.ge [sflag:s24], $0x800  }
0x73: {  	[sflag:s24] =	ssyncset.done $0x0  }
0x74: {  	[sflag:s24] =	ssyncadd.s32 $0xFFFFF800  }
0x75: {  	_ =	swait.ge [sflag:s24], $0x800  }
0x76: {  	[sflag:s24] =	ssyncset.done $0x0  }
0x77: {  	[sflag:s24] =	ssyncadd.s32 $0xFFFFF800  }
0x78: {  	_ =	swait.ge [sflag:s24], $0x800  }
0x79: {  	[sflag:s24] =	ssyncset.done $0x0  }
0x7a: {  	[sflag:s24] =	ssyncadd.s32 $0xFFFFF800  }
0x7b: {  	_ =	swait.ge [sflag:s24], $0x800  }
0x7c: {  	[sflag:s24] =	ssyncset.done $0x0  }
0x7d: {  	[sflag:s24] =	ssyncadd.s32 $0xFFFFF800  }
0x7e: {  	_ =	swait.ge [sflag:s24], $0x800  }
0x7f: {  	[sflag:s24] =	ssyncset.done $0x0  }
0x80: {  	[sflag:s24] =	ssyncadd.s32 $0xFFFFF800  }
0x81: {  	_ =	swait.ge [sflag:s24], $0x800  }
0x82: {  	[sflag:s24] =	ssyncset.done $0x0  }
0x83: {  	[sflag:s24] =	ssyncadd.s32 $0xFFFFF800  }
0x84: {  	_ =	swait.ge [sflag:s24], $0x800  }
0x85: {  	[sflag:s24] =	ssyncset.done $0x0  }
0x86: {  	[sflag:s24] =	ssyncadd.s32 $0xFFFFF800  }
0x87: {  	_ =	swait.ge [sflag:s24], $0x800  }
0x88: {  	[sflag:s24] =	ssyncset.done $0x0  }
0x89: {  	[sflag:s24] =	ssyncadd.s32 $0xFFFFF800  }
0x8a: {  	_ =	swait.ge [sflag:s24], $0x800  }
0x8b: {  	[sflag:s24] =	ssyncset.done $0x0  }
0x8c: {  	[sflag:s24] =	ssyncadd.s32 $0xFFFFF800  }
0x8d: {  	_ =	swait.ge [sflag:s24], $0x800  }
0x8e: {  	[sflag:s24] =	ssyncset.done $0x0  }
0x8f: {  	[sflag:s24] =	ssyncadd.s32 $0xFFFFF800  }
0x90: {  	_ =	swait.ge [sflag:s24], $0x800  }
0x91: {  	[sflag:s24] =	ssyncset.done $0x0  }
0x92: {  	[sflag:s24] =	ssyncadd.s32 $0xFFFFF800  }
0x93: {  	_ =	swait.ge [sflag:s24], $0x800  }
0x94: {  	[sflag:s24] =	ssyncset.done $0x0  }
0x95: {  	[sflag:s24] =	ssyncadd.s32 $0xFFFFF800  }
0x96: {  	_ =	swait.ge [sflag:s24], $0x800  }
0x97: {  	[sflag:s24] =	ssyncset.done $0x0  }
0x98: {  	[sflag:s24] =	ssyncadd.s32 $0xFFFFF800  }
0x99: {  	_ =	swait.ge [sflag:s24], $0x800  }
0x9a: {  	[sflag:s24] =	ssyncset.done $0x0  }
0x9b: {  	[sflag:s24] =	ssyncadd.s32 $0xFFFFF800  }
0x9c: {  	_ =	swait.ge [sflag:s24], $0x800  }
0x9d: {  	[sflag:s24] =	ssyncset.done $0x0  }
0x9e: {  	[sflag:s24] =	ssyncadd.s32 $0xFFFFF800  }
0x9f: {  	s19 =	ssub.s32 $0x2, s1;
	_ =	swait.ge [sflag:s24], $0x800  }
0xa0: {  	s1 =	sshrl.u32 s19, $0x1;
	[sflag:s24] =	ssyncset.done $0x0  }
0xa1: {  	s0 =	ssub.s32 s19, s1;
	[sflag:s24] =	ssyncadd.s32 $0xFFFFF800  }
0xa2: {  	s0 =	smax.u32 s0, $0x1;
	_ =	swait.ge [sflag:s24], $0x800  }
0xa3: {  	p0 =	sne.s32 s0, $0x1;
	[sflag:s24] =	ssyncset.done $0x0  }
.Ltmp0:
0xa4: {  	[sflag:s24] =	ssyncadd.s32 $0xFFFFF800;
	(pc) =	sbr.rel @!p0 .LBB2_2-.Ltmp0, $4  }
0xa5: {  	_ =	swait.ge [sflag:s24], $0x800  }
0xa6: {  	[sflag:s24] =	ssyncset.done $0x0  }
0xa7: {  	[sflag:s24] =	ssyncadd.s32 $0xFFFFF800  }
0xa8: {  	s1 =	sadd.s32 $0xFFFFFFFF, s0;
	_ =	swait.ge [sflag:s24], $0x800  }
.LBB2_1:
0xa9: {  	[sflag:s24] =	ssyncset.done $0x0  }
0xaa: {  	[sflag:s24] =	ssyncadd.s32 $0xFFFFF800  }
0xab: {  	_ =	swait.ge [sflag:s24], $0x800  }
0xac: {  	[sflag:s24] =	ssyncset.done $0x0  }
0xad: {  	[sflag:s24] =	ssyncadd.s32 $0xFFFFF800  }
0xae: {  	_ =	swait.ge [sflag:s24], $0x800  }
0xaf: {  	[sflag:s24] =	ssyncset.done $0x0  }
0xb0: {  	s0 =	rddreg [dreg:$0x3];
	[sflag:s24] =	ssyncadd.s32 $0xFFFFF800  }
0xb1: {  	[hbm4b:s0+s2] =	stream.linear.scatter [tilespmem:s4], [sflag:$0x2], $0xD000, $0x38;
	[tilespmem:$0xDD00] =	vst v63  }
0xb2: {  	_ =	swait.ge [sflag:s3], $0xD000  }
0xb3: {  	[sflag:s3] =	ssyncset.done $0x0  }
0xb4: {  	s17 =	rddreg [dreg:$0x2];
	[sflag:s3] =	ssyncadd.s32 $0xFFFF3000  }
0xb5: {  	[tilespmem:s2], [sflag:$0x2] =	stream.linear.gather [hbm4b:s17+s2], $0xD00, $0x38;
	[tilespmem:$0xDD00] =	vst v63  }
0xb6: {  	_ =	swait.ge [sflag:s3], $0xD00  }
0xb7: {  	s0 =	rddreg [dreg:$0x1c]  }
0xb8: {  	s7 =	rddreg [dreg:$0x1a]  }
0xb9: {  	s8 =	rddreg [dreg:$0x18]  }
0xba: {  	s9 =	rddreg [dreg:$0x16]  }
0xbb: {  	s10 =	rddreg [dreg:$0x14]  }
0xbc: {  	s11 =	rddreg [dreg:$0x12]  }
0xbd: {  	s12 =	rddreg [dreg:$0x10]  }
0xbe: {  	s13 =	rddreg [dreg:$0xe]  }
0xbf: {  	s14 =	rddreg [dreg:$0xc]  }
0xc0: {  	s15 =	rddreg [dreg:$0xa]  }
0xc1: {  	s16 =	rddreg [dreg:$0x5];
	[sflag:s3] =	ssyncset.done $0x0  }
0xc2: {  	s17 =	rddreg [dreg:$0x4];
	[sflag:s3] =	ssyncadd.s32 $0xFFFFF300  }
0xc3: {  	[tilespmem:s4], [sflag:$0x1] =	stream.indirect.gather [hbm4b:s5+s6], $0x10, s2, s6, $0xb8;
	[tilespmem:$0xDD00] =	vst v63  }
0xc4: {  	s18 =	rddreg [dreg:$0x6]  }
0xc5: {  	[tilespmem:s17], [sflag:$0x1] =	stream.indirect.gather [hbm4b:s5+s6], $0x10, s6, s6, $0xb8;
	[tilespmem:$0xDD00] =	vst v63  }
0xc6: {  	s19 =	rddreg [dreg:$0x8]  }
0xc7: {  	[tilespmem:s18], [sflag:$0x1] =	stream.indirect.gather [hbm4b:s5+s6], $0x10, s16, s6, $0xb8;
	[tilespmem:$0xDD00] =	vst v63  }
0xc8: {  	s17 =	rddreg [dreg:$0x7]  }
0xc9: {  	[tilespmem:s19], [sflag:$0x1] =	stream.indirect.gather [hbm4b:s5+s6], $0x10, s17, s6, $0xb8;
	[tilespmem:$0xDD00] =	vst v63  }
0xca: {  	s18 =	rddreg [dreg:$0x9]  }
0xcb: {  	[tilespmem:s15], [sflag:$0x1] =	stream.indirect.gather [hbm4b:s5+s6], $0x10, s18, s6, $0xb8;
	[tilespmem:$0xDD00] =	vst v63  }
0xcc: {  	s19 =	rddreg [dreg:$0xb]  }
0xcd: {  	[tilespmem:s14], [sflag:$0x1] =	stream.indirect.gather [hbm4b:s5+s6], $0x10, s19, s6, $0xb8;
	[tilespmem:$0xDD00] =	vst v63  }
0xce: {  	s16 =	rddreg [dreg:$0xd]  }
0xcf: {  	[tilespmem:s13], [sflag:$0x1] =	stream.indirect.gather [hbm4b:s5+s6], $0x10, s16, s6, $0xb8;
	[tilespmem:$0xDD00] =	vst v63  }
0xd0: {  	s17 =	rddreg [dreg:$0xf]  }
0xd1: {  	[tilespmem:s12], [sflag:$0x1] =	stream.indirect.gather [hbm4b:s5+s6], $0x10, s17, s6, $0xb8;
	[tilespmem:$0xDD00] =	vst v63  }
0xd2: {  	s18 =	rddreg [dreg:$0x11]  }
0xd3: {  	[tilespmem:s11], [sflag:$0x1] =	stream.indirect.gather [hbm4b:s5+s6], $0x10, s18, s6, $0xb8;
	[tilespmem:$0xDD00] =	vst v63  }
0xd4: {  	s19 =	rddreg [dreg:$0x13]  }
0xd5: {  	[tilespmem:s10], [sflag:$0x1] =	stream.indirect.gather [hbm4b:s5+s6], $0x10, s19, s6, $0xb8;
	[tilespmem:$0xDD00] =	vst v63  }
0xd6: {  	s14 =	rddreg [dreg:$0x15]  }
0xd7: {  	[tilespmem:s9], [sflag:$0x1] =	stream.indirect.gather [hbm4b:s5+s6], $0x10, s14, s6, $0xb8;
	[tilespmem:$0xDD00] =	vst v63  }
0xd8: {  	s15 =	rddreg [dreg:$0x17]  }
0xd9: {  	[tilespmem:s8], [sflag:$0x1] =	stream.indirect.gather [hbm4b:s5+s6], $0x10, s15, s6, $0xb8;
	[tilespmem:$0xDD00] =	vst v63  }
0xda: {  	s16 =	rddreg [dreg:$0x19]  }
0xdb: {  	[tilespmem:s7], [sflag:$0x1] =	stream.indirect.gather [hbm4b:s5+s6], $0x10, s16, s6, $0xb8;
	[tilespmem:$0xDD00] =	vst v63  }
0xdc: {  	s17 =	rddreg [dreg:$0x1b]  }
0xdd: {  	[tilespmem:s0], [sflag:$0x1] =	stream.indirect.gather [hbm4b:s5+s6], $0x10, s17, s6, $0xb8;
	[tilespmem:$0xDD00] =	vst v63  }
0xde: {  	s18 =	rddreg [dreg:$0x1d];
	s19 =	simm.s32 $0x7D00  }
0xdf: {  	[tilespmem:s19], [sflag:$0x1] =	stream.indirect.gather [hbm4b:s5+s6], $0x10, s18, s6, $0xb8;
	[tilespmem:$0xDD00] =	vst v63  }
0xe0: {  	s9 =	simm.s32 $0x8500;
	s8 =	simm.s32 $0x780  }
0xe1: {  	[tilespmem:s9], [sflag:$0x1] =	stream.indirect.gather [hbm4b:s5+s6], $0x10, s8, s6, $0xb8;
	[tilespmem:$0xDD00] =	vst v63  }
0xe2: {  	s11 =	simm.s32 $0x8D00;
	s10 =	simm.s32 $0x800  }
0xe3: {  	[tilespmem:s11], [sflag:$0x1] =	stream.indirect.gather [hbm4b:s5+s6], $0x10, s10, s6, $0xb8;
	[tilespmem:$0xDD00] =	vst v63  }
0xe4: {  	s13 =	simm.s32 $0x9500;
	s12 =	simm.s32 $0x880  }
0xe5: {  	[tilespmem:s13], [sflag:$0x1] =	stream.indirect.gather [hbm4b:s5+s6], $0x10, s12, s6, $0xb8;
	[tilespmem:$0xDD00] =	vst v63  }
0xe6: {  	s14 =	simm.s32 $0x900;
	s15 =	simm.s32 $0x9D00  }
0xe7: {  	[tilespmem:s15], [sflag:$0x1] =	stream.indirect.gather [hbm4b:s5+s6], $0x10, s14, s6, $0xb8;
	[tilespmem:$0xDD00] =	vst v63  }
0xe8: {  	s16 =	simm.s32 $0x980;
	s17 =	simm.s32 $0xA500  }
0xe9: {  	[tilespmem:s17], [sflag:$0x1] =	stream.indirect.gather [hbm4b:s5+s6], $0x10, s16, s6, $0xb8;
	[tilespmem:$0xDD00] =	vst v63  }
0xea: {  	s18 =	simm.s32 $0xA00;
	s19 =	simm.s32 $0xAD00  }
0xeb: {  	[tilespmem:s19], [sflag:$0x1] =	stream.indirect.gather [hbm4b:s5+s6], $0x10, s18, s6, $0xb8;
	[tilespmem:$0xDD00] =	vst v63  }
0xec: {  	_ = 	snop  }
0xed: {  	[tilespmem:s21], [sflag:$0x1] =	stream.indirect.gather [hbm4b:s5+s6], $0x10, s20, s6, $0xb8;
	[tilespmem:$0xDD00] =	vst v63  }
0xee: {  	_ = 	snop  }
0xef: {  	[tilespmem:s23], [sflag:$0x1] =	stream.indirect.gather [hbm4b:s5+s6], $0x10, s22, s6, $0xb8;
	[tilespmem:$0xDD00] =	vst v63  }
0xf0: {  	_ = 	snop  }
0xf1: {  	[tilespmem:s26], [sflag:$0x1] =	stream.indirect.gather [hbm4b:s5+s6], $0x10, s25, s6, $0xb8;
	[tilespmem:$0xDD00] =	vst v63  }
0xf2: {  	_ = 	snop  }
0xf3: {  	[tilespmem:s29], [sflag:$0x1] =	stream.indirect.gather [hbm4b:s5+s6], $0x10, s28, s6, $0xb8;
	[tilespmem:$0xDD00] =	vst v63  }
0xf4: {  	_ = 	snop  }
0xf5: {  	[tilespmem:s31], [sflag:$0x1] =	stream.indirect.gather [hbm4b:s5+s6], $0x10, s30, s6, $0xb8;
	[tilespmem:$0xDD00] =	vst v63  }
0xf6: {  	_ =	swait.ge [sflag:s24], $0x800  }
0xf7: {  	[sflag:s24] =	ssyncset.done $0x0  }
0xf8: {  	[sflag:s24] =	ssyncadd.s32 $0xFFFFF800  }
0xf9: {  	_ =	swait.ge [sflag:s24], $0x800  }
0xfa: {  	[sflag:s24] =	ssyncset.done $0x0  }
0xfb: {  	[sflag:s24] =	ssyncadd.s32 $0xFFFFF800  }
0xfc: {  	_ =	swait.ge [sflag:s24], $0x800  }
0xfd: {  	[sflag:s24] =	ssyncset.done $0x0  }
0xfe: {  	[sflag:s24] =	ssyncadd.s32 $0xFFFFF800  }
0xff: {  	_ =	swait.ge [sflag:s24], $0x800  }
0x100: {  	[sflag:s24] =	ssyncset.done $0x0  }
0x101: {  	[sflag:s24] =	ssyncadd.s32 $0xFFFFF800  }
0x102: {  	_ =	swait.ge [sflag:s24], $0x800  }
0x103: {  	[sflag:s24] =	ssyncset.done $0x0  }
0x104: {  	[sflag:s24] =	ssyncadd.s32 $0xFFFFF800  }
0x105: {  	_ =	swait.ge [sflag:s24], $0x800  }
0x106: {  	[sflag:s24] =	ssyncset.done $0x0  }
0x107: {  	[sflag:s24] =	ssyncadd.s32 $0xFFFFF800  }
0x108: {  	_ =	swait.ge [sflag:s24], $0x800  }
0x109: {  	[sflag:s24] =	ssyncset.done $0x0  }
0x10a: {  	[sflag:s24] =	ssyncadd.s32 $0xFFFFF800  }
0x10b: {  	_ =	swait.ge [sflag:s24], $0x800  }
0x10c: {  	[sflag:s24] =	ssyncset.done $0x0  }
0x10d: {  	[sflag:s24] =	ssyncadd.s32 $0xFFFFF800  }
0x10e: {  	_ =	swait.ge [sflag:s24], $0x800  }
0x10f: {  	[sflag:s24] =	ssyncset.done $0x0  }
0x110: {  	[sflag:s24] =	ssyncadd.s32 $0xFFFFF800  }
0x111: {  	_ =	swait.ge [sflag:s24], $0x800  }
0x112: {  	[sflag:s24] =	ssyncset.done $0x0  }
0x113: {  	[sflag:s24] =	ssyncadd.s32 $0xFFFFF800  }
0x114: {  	_ =	swait.ge [sflag:s24], $0x800  }
0x115: {  	[sflag:s24] =	ssyncset.done $0x0  }
0x116: {  	[sflag:s24] =	ssyncadd.s32 $0xFFFFF800  }
0x117: {  	_ =	swait.ge [sflag:s24], $0x800  }
0x118: {  	[sflag:s24] =	ssyncset.done $0x0  }
0x119: {  	[sflag:s24] =	ssyncadd.s32 $0xFFFFF800  }
0x11a: {  	_ =	swait.ge [sflag:s24], $0x800  }
0x11b: {  	[sflag:s24] =	ssyncset.done $0x0  }
0x11c: {  	[sflag:s24] =	ssyncadd.s32 $0xFFFFF800  }
0x11d: {  	_ =	swait.ge [sflag:s24], $0x800  }
0x11e: {  	[sflag:s24] =	ssyncset.done $0x0  }
0x11f: {  	[sflag:s24] =	ssyncadd.s32 $0xFFFFF800  }
0x120: {  	_ =	swait.ge [sflag:s24], $0x800  }
0x121: {  	[sflag:s24] =	ssyncset.done $0x0  }
0x122: {  	[sflag:s24] =	ssyncadd.s32 $0xFFFFF800  }
0x123: {  	_ =	swait.ge [sflag:s24], $0x800  }
0x124: {  	[sflag:s24] =	ssyncset.done $0x0  }
0x125: {  	[sflag:s24] =	ssyncadd.s32 $0xFFFFF800  }
0x126: {  	_ =	swait.ge [sflag:s24], $0x800  }
0x127: {  	[sflag:s24] =	ssyncset.done $0x0  }
0x128: {  	[sflag:s24] =	ssyncadd.s32 $0xFFFFF800  }
0x129: {  	_ =	swait.ge [sflag:s24], $0x800  }
0x12a: {  	[sflag:s24] =	ssyncset.done $0x0  }
0x12b: {  	[sflag:s24] =	ssyncadd.s32 $0xFFFFF800  }
0x12c: {  	_ =	swait.ge [sflag:s24], $0x800  }
0x12d: {  	[sflag:s24] =	ssyncset.done $0x0  }
0x12e: {  	[sflag:s24] =	ssyncadd.s32 $0xFFFFF800  }
0x12f: {  	_ =	swait.ge [sflag:s24], $0x800  }
0x130: {  	[sflag:s24] =	ssyncset.done $0x0  }
0x131: {  	[sflag:s24] =	ssyncadd.s32 $0xFFFFF800  }
0x132: {  	_ =	swait.ge [sflag:s24], $0x800  }
0x133: {  	[sflag:s24] =	ssyncset.done $0x0  }
0x134: {  	[sflag:s24] =	ssyncadd.s32 $0xFFFFF800  }
0x135: {  	_ =	swait.ge [sflag:s24], $0x800  }
0x136: {  	p0 =	sne.s32 s1, $0x1;
	[sflag:s24] =	ssyncset.done $0x0  }
.Ltmp1:
0x137: {  	[sflag:s24] =	ssyncadd.s32 $0xFFFFF800;
	(pc) =	sbr.rel @p0 .LBB2_1-.Ltmp1, $4  }
0x138: {  	_ =	swait.ge [sflag:s24], $0x800  }
0x139: {  	[sflag:s24] =	ssyncset.done $0x0  }
0x13a: {  	[sflag:s24] =	ssyncadd.s32 $0xFFFFF800  }
0x13b: {  	s1 =	sadd.s32 $0xFFFFFFFF, s1;
	_ =	swait.ge [sflag:s24], $0x800  }
.LBB2_2:
0x13c: {  	[sflag:s24] =	ssyncset.done $0x0  }
0x13d: {  	[sflag:s24] =	ssyncadd.s32 $0xFFFFF800  }
0x13e: {  	_ =	swait.ge [sflag:s24], $0x800  }
0x13f: {  	[sflag:s24] =	ssyncset.done $0x0  }
0x140: {  	[sflag:s24] =	ssyncadd.s32 $0xFFFFF800  }
0x141: {  	_ =	swait.ge [sflag:s24], $0x800  }
0x142: {  	[sflag:s24] =	ssyncset.done $0x0  }
0x143: {  	s0 =	rddreg [dreg:$0x3];
	[sflag:s24] =	ssyncadd.s32 $0xFFFFF800  }
0x144: {  	[hbm4b:s0+s2] =	stream.linear.scatter [tilespmem:s4], [sflag:$0x2], $0xD000, $0x38;
	[tilespmem:$0xDD00] =	vst v63  }
0x145: {  	_ =	swait.ge [sflag:s3], $0xD000  }
0x146: {  	[sflag:s3] =	ssyncset.done $0x0  }
0x147: {  	[sflag:s3] =	ssyncadd.s32 $0xFFFF3000  }
0x148: {  	_ =	sfence.sel $0x180000  }
0x149: {  	[bflag:$0x0] =	sbarrier.arrive $0xFFFF  }
0x14a: {  	_ =	strace $0x9000004A  }
0x14b: {  	s31 =	stileid.u32;
	[bflag:$0x2] =	sbarrier.arrive $0xFFFF  }
0x14c: {  	p0 =	sne.s32 s31, $0x0;
	s0 =	rddreg [dreg:$0x1]  }
0x14d: {  	s0 =	sadd.s32 @!p0 $0x100000, s0  }
0x14e: {  	[sflag:s0] =	ssyncadd.tile.s32 @!p0 $0x1;
	_ =	shalt  }
.Lfunc_end2:
_tile_overlayer_lowered:
.L_overlay_start_2:
0x14f: {  	(tag) =	ssettag $0x2  }
0x150: {  	s0 =	rddreg [dreg:$0x0];
	s2 =	stileid.u32  }
0x151: {  	s1 =	rddreg [dreg:$0x1];
	p0 =	sne.s32 s2, $0x0  }
0x152: {  	s3 =	rddreg [dreg:$0x2];
	[bflag:$0x3] =	sbarrier.arrive $0xFFFF;
	s2 =	simm.s32 @!p0 $0x1C02  }
0x153: {  	[timem:s3], [sflag:s2] =	dma.local @!p0 [hbm:s0], s1  }
0x154: {  	s0 =	simm.s32 @!p0 $0x2  }
0x155: {  	_ =	swait.ge @!p0 [sflag:s0], s1  }
0x156: {  	s1 =	ssub.s32 @!p0 $0x0, s1;
	[sflag:s0] =	ssyncset.done @!p0 $0x0  }
0x157: {  	[sflag:s0] =	ssyncadd.s32 @!p0 s1  }
0x158: {  	[bflag:$0x3] =	sbarrier.arrive $0xFFFF  }
0x159: {  	_ =	shalt  }

</sc_bundles>
